<compile_context>
chip_gen: v7x
topology: tpu7x:2x2x1
jax: 0.10.2.dev20260603
libtpu: 0.0.44.dev20260713+nightly
codegen_flags: <defaults>
</compile_context>

<pallas_src>
import functools

import jax
import jax.numpy as jnp
from jax import lax
from jax.experimental import pallas as pl
from jax.experimental.pallas import tpu as pltpu
from jax.experimental.pallas import tpu_sc as plsc

N = 768
D = 128
E_Q = 49152

_SC_INFO = plsc.get_sparse_core_info()
_NC = _SC_INFO.num_cores
_NS = _SC_INFO.num_subcores
_NW = _NC * _NS
_EPW = E_Q // _NW
_CH = 128
_NCH = _EPW // _CH


def _dense_body(z_ref, ei_ref, w1_ref, b1_ref, w2_ref, b2_ref, bias_ref,
                g_ref, fidx_ref):
    z = z_ref[...]
    xw1 = jnp.dot(z, w1_ref[...], preferred_element_type=jnp.float32)
    m1 = jnp.sum(xw1, axis=0, keepdims=True) * (1.0 / N)
    h = jnp.maximum(z + m1 + b1_ref[...], 0.0)
    xw2 = jnp.dot(h, w2_ref[...], preferred_element_type=jnp.float32)
    m2 = jnp.sum(xw2, axis=0, keepdims=True) * (1.0 / N)
    h2 = h + m2 + b2_ref[...]
    gram = -(lax.dot_general(
        h2, h2, (((1,), (1,)), ((), ())),
        preferred_element_type=jnp.float32) + bias_ref[0, 0])
    g_ref[...] = gram.reshape(N * N // D, D)
    ei = ei_ref[...]
    fidx_ref[...] = ei[0, :] * N + ei[1, :]


def _dense(z, edge_index, W1, b1, W2, b2, bias):
    return pl.pallas_call(
        _dense_body,
        out_shape=(
            jax.ShapeDtypeStruct((N * N // D, D), jnp.float32),
            jax.ShapeDtypeStruct((E_Q,), jnp.int32),
        ),
    )(z, edge_index, W1, b1.reshape(1, D), W2, b2.reshape(1, D),
      bias.reshape(1, 1).astype(jnp.float32))


def _score_body(g_hbm, fidx_hbm, out_hbm, fidx_v, gat_v, res_v, sem):
    wid = lax.axis_index("s") * _NC + lax.axis_index("c")
    base = wid * _EPW
    pltpu.sync_copy(fidx_hbm.at[pl.ds(base, _EPW)], fidx_v)
    copies = [
        pltpu.async_copy(g_hbm.at[fidx_v.at[pl.ds(c * _CH, _CH)]],
                         gat_v.at[pl.ds(c * _CH, _CH)], sem)
        for c in range(_NCH)
    ]
    for c in range(_NCH):
        copies[c].wait()
        for u in range(_CH // 16):
            o = c * _CH + u * 16
            res_v[pl.ds(o, 16)] = 1.0 / (1.0 + jnp.exp(gat_v[pl.ds(o, 16)]))
    pltpu.sync_copy(res_v, out_hbm.at[pl.ds(base, _EPW)])


@functools.partial(jax.jit, static_argnames=())
def _score(g_flat, fidx):
    mesh = plsc.VectorSubcoreMesh(core_axis_name="c", subcore_axis_name="s")
    out = pl.kernel(
        _score_body,
        out_type=jax.ShapeDtypeStruct((E_Q,), jnp.float32),
        mesh=mesh,
        compiler_params=pltpu.CompilerParams(
            use_tc_tiling_on_sc=False, needs_layout_passes=False),
        scratch_types=[
            pltpu.VMEM((_EPW,), jnp.int32),
            pltpu.VMEM((_EPW,), jnp.float32),
            pltpu.VMEM((_EPW,), jnp.float32),
            pltpu.SemaphoreType.DMA,
        ],
    )(g_flat, fidx)
    return out


def kernel(z, edge_index, W1, b1, W2, b2, bias):
    g, fidx = _dense(z, edge_index, W1, b1, W2, b2, bias)
    return _score(g.reshape(N * N), fidx)

# --- scband reference (transcript-rebuilt; emitter-appended) ---
"""Pipeline reference for scband-gnndecoder-26242250179179 (READ-ONLY COPY).

The authoritative reference and input builder live on the scoring server;
editing this copy changes nothing except your own understanding.
"""

import jax, jax.numpy as jnp
import numpy as np

N = 768
D = 128
E_Q = 49152


def _fc_edge_index(n):
    r = np.repeat(np.arange(n), n)
    c = np.tile(np.arange(n), n)
    m = r != c
    return np.stack([r[m], c[m]]).astype(np.int32)


FC_EDGE = jnp.asarray(_fc_edge_index(N))


def _gcn_conv(x, W, b, src, dst, n):
    # Faithful PyG GCNConv: linear (no bias), add self-loops, symmetric deg norm, scatter-add, bias.
    xw = x @ W
    loop = jnp.arange(n, dtype=src.dtype)
    s = jnp.concatenate([src, loop])
    d = jnp.concatenate([dst, loop])
    deg = jax.ops.segment_sum(jnp.ones(s.shape[0], dtype=x.dtype), d, num_segments=n)
    dinv = jnp.where(deg > 0, 1.0 / jnp.sqrt(deg), 0.0)
    norm = dinv[s] * dinv[d]
    msg = xw[s] * norm[:, None]
    out = jax.ops.segment_sum(msg, d, num_segments=n)
    return out + b


def setup_inputs(seed: int = 0) -> dict:
    key = jax.random.key(seed)
    k0, k1, k2, k3 = jax.random.split(key, 4)
    z = jax.random.normal(k0, (N, D), dtype=jnp.float32)
    edge_index = jax.random.randint(k1, (2, E_Q), 0, N, dtype=jnp.int32)
    W1 = jax.random.normal(k2, (D, D), dtype=jnp.float32) * 0.05
    b1 = jnp.zeros((D,), dtype=jnp.float32)
    W2 = jax.random.normal(k3, (D, D), dtype=jnp.float32) * 0.05
    b2 = jnp.zeros((D,), dtype=jnp.float32)
    bias = jnp.zeros((1,), dtype=jnp.float32)
    return {"z": z, "edge_index": edge_index, "W1": W1, "b1": b1, "W2": W2, "b2": b2, "bias": bias}


def reference(z, edge_index, W1, b1, W2, b2, bias):
    src, dst = FC_EDGE[0], FC_EDGE[1]
    h = _gcn_conv(z, W1, b1, src, dst, N) + z
    h = jax.nn.relu(h)
    h = _gcn_conv(h, W2, b2, src, dst, N) + h
    zi = h[edge_index[0]]
    zj = h[edge_index[1]]
    logits = jnp.sum(zi * zj, axis=-1) + bias
    return jax.nn.sigmoid(logits)

if __name__ == "__main__":
    import jax
    _d = setup_inputs()
    print(jax.jit(kernel)(*tuple(_d.values())))

</pallas_src>

<mosaic_0001>
#map = affine_map<(d0, d1) -> (0)>
module attributes {stable_mosaic.version = 14 : i64} {
  func.func @_score_body(%arg0: i32, %arg1: i32, %arg2: memref<589824xf32, #tpu.memory_space<hbm>>, %arg3: memref<49152xi32, #tpu.memory_space<hbm>>, %arg4: memref<49152xf32, #tpu.memory_space<hbm>>, %arg5: memref<1536xi32, #tpu.memory_space<vmem>>, %arg6: memref<1536xf32, #tpu.memory_space<vmem>>, %arg7: memref<1536xf32, #tpu.memory_space<vmem>>, %arg8: memref<!tpu.dma_semaphore, #tpu.memory_space<semaphore_mem>>) attributes {dimension_semantics = [#tpu.dimension_semantics<core_parallel>, #tpu.dimension_semantics<subcore_parallel>], iteration_bounds = array<i64: 2, 16>, scalar_prefetch = 0 : i64, scratch_operands = 4 : i64, tpu.core_type = #tpu.core_type<sc_vector_subcore>, window_params = [{transform_indices = #map}, {transform_indices = #map}, {transform_indices = #map}]} {
    %mul3A = arith.constant 2 : i32
    %mul3A_0 = arith.muli %arg1, %mul3A : i32
    %add3A = arith.addi %mul3A_0, %arg0 : i32
    %mul3A_1 = arith.constant 1536 : i32
    %mul3A_2 = arith.muli %add3A, %mul3A_1 : i32
    "tpu.region"() ({
      %run_scoped3A = tpu.sem_alloc : memref<!tpu.dma_semaphore, #tpu.memory_space<semaphore_mem>>
      %dma_start3A_1197 = tpu.memref_slice %arg3[%mul3A_2] : memref<49152xi32, #tpu.memory_space<hbm>> -> memref<1536xi32, #tpu.memory_space<hbm>>
      %dma_start3A_1198 = tpu.memref_slice %arg3[%mul3A_2] : memref<49152xi32, #tpu.memory_space<hbm>> -> memref<1536xi32, #tpu.memory_space<hbm>>
      tpu.enqueue_dma source(%dma_start3A_1198 : memref<1536xi32, #tpu.memory_space<hbm>>) target(%arg5 : memref<1536xi32, #tpu.memory_space<vmem>>) target_semaphore(%run_scoped3A : memref<!tpu.dma_semaphore, #tpu.memory_space<semaphore_mem>>)
      %dma_wait3A_1199 = tpu.memref_slice %arg3[%mul3A_2] : memref<49152xi32, #tpu.memory_space<hbm>> -> memref<1536xi32, #tpu.memory_space<hbm>>
      %dma_wait3A_1200 = tpu.memref_slice %arg3[%mul3A_2] : memref<49152xi32, #tpu.memory_space<hbm>> -> memref<1536xi32, #tpu.memory_space<hbm>>
      tpu.wait_dma2 semaphore(%run_scoped3A : memref<!tpu.dma_semaphore, #tpu.memory_space<semaphore_mem>>) src(%dma_wait3A_1200 : memref<1536xi32, #tpu.memory_space<hbm>>) dst(%arg5 : memref<1536xi32, #tpu.memory_space<vmem>>)
      tpu.yield
    }) : () -> ()
    %dma_start3A = arith.constant 0 : i32
    %dma_start3A_3 = tpu.memref_slice %arg6[%dma_start3A] : memref<1536xf32, #tpu.memory_space<vmem>> -> memref<128xf32, #tpu.memory_space<vmem>>
    %dma_start3A_4 = arith.constant 0 : i32
    %dma_start3A_5 = tpu.memref_slice %arg5[%dma_start3A_4] : memref<1536xi32, #tpu.memory_space<vmem>> -> memref<128xi32, #tpu.memory_space<vmem>>
    %dma_start3A_6 = arith.constant 0 : i32
    %dma_start3A_7 = tpu.memref_slice %arg2[%dma_start3A_6] : memref<589824xf32, #tpu.memory_space<hbm>> -> memref<589824xf32, #tpu.memory_space<hbm>>
    tpu.enqueue_indirect_dma source(%dma_start3A_7 : memref<589824xf32, #tpu.memory_space<hbm>>) target(%dma_start3A_3 : memref<128xf32, #tpu.memory_space<vmem>>) offsets(%dma_start3A_5 : memref<128xi32, #tpu.memory_space<vmem>>) semaphore(%arg8 : memref<!tpu.dma_semaphore, #tpu.memory_space<semaphore_mem>>)
    %dma_start3A_8 = arith.constant 128 : i32
    %dma_start3A_9 = tpu.memref_slice %arg6[%dma_start3A_8] : memref<1536xf32, #tpu.memory_space<vmem>> -> memref<128xf32, #tpu.memory_space<vmem>>
    %dma_start3A_10 = arith.constant 128 : i32
    %dma_start3A_11 = tpu.memref_slice %arg5[%dma_start3A_10] : memref<1536xi32, #tpu.memory_space<vmem>> -> memref<128xi32, #tpu.memory_space<vmem>>
    %dma_start3A_12 = arith.constant 0 : i32
    %dma_start3A_13 = tpu.memref_slice %arg2[%dma_start3A_12] : memref<589824xf32, #tpu.memory_space<hbm>> -> memref<589824xf32, #tpu.memory_space<hbm>>
    tpu.enqueue_indirect_dma source(%dma_start3A_13 : memref<589824xf32, #tpu.memory_space<hbm>>) target(%dma_start3A_9 : memref<128xf32, #tpu.memory_space<vmem>>) offsets(%dma_start3A_11 : memref<128xi32, #tpu.memory_space<vmem>>) semaphore(%arg8 : memref<!tpu.dma_semaphore, #tpu.memory_space<semaphore_mem>>)
    %dma_start3A_14 = arith.constant 256 : i32
    %dma_start3A_15 = tpu.memref_slice %arg6[%dma_start3A_14] : memref<1536xf32, #tpu.memory_space<vmem>> -> memref<128xf32, #tpu.memory_space<vmem>>
    %dma_start3A_16 = arith.constant 256 : i32
    %dma_start3A_17 = tpu.memref_slice %arg5[%dma_start3A_16] : memref<1536xi32, #tpu.memory_space<vmem>> -> memref<128xi32, #tpu.memory_space<vmem>>
    %dma_start3A_18 = arith.constant 0 : i32
    %dma_start3A_19 = tpu.memref_slice %arg2[%dma_start3A_18] : memref<589824xf32, #tpu.memory_space<hbm>> -> memref<589824xf32, #tpu.memory_space<hbm>>
    tpu.enqueue_indirect_dma source(%dma_start3A_19 : memref<589824xf32, #tpu.memory_space<hbm>>) target(%dma_start3A_15 : memref<128xf32, #tpu.memory_space<vmem>>) offsets(%dma_start3A_17 : memref<128xi32, #tpu.memory_space<vmem>>) semaphore(%arg8 : memref<!tpu.dma_semaphore, #tpu.memory_space<semaphore_mem>>)
    %dma_start3A_20 = arith.constant 384 : i32
    %dma_start3A_21 = tpu.memref_slice %arg6[%dma_start3A_20] : memref<1536xf32, #tpu.memory_space<vmem>> -> memref<128xf32, #tpu.memory_space<vmem>>
    %dma_start3A_22 = arith.constant 384 : i32
    %dma_start3A_23 = tpu.memref_slice %arg5[%dma_start3A_22] : memref<1536xi32, #tpu.memory_space<vmem>> -> memref<128xi32, #tpu.memory_space<vmem>>
    %dma_start3A_24 = arith.constant 0 : i32
    %dma_start3A_25 = tpu.memref_slice %arg2[%dma_start3A_24] : memref<589824xf32, #tpu.memory_space<hbm>> -> memref<589824xf32, #tpu.memory_space<hbm>>
    tpu.enqueue_indirect_dma source(%dma_start3A_25 : memref<589824xf32, #tpu.memory_space<hbm>>) target(%dma_start3A_21 : memref<128xf32, #tpu.memory_space<vmem>>) offsets(%dma_start3A_23 : memref<128xi32, #tpu.memory_space<vmem>>) semaphore(%arg8 : memref<!tpu.dma_semaphore, #tpu.memory_space<semaphore_mem>>)
    %dma_start3A_26 = arith.constant 512 : i32
    %dma_start3A_27 = tpu.memref_slice %arg6[%dma_start3A_26] : memref<1536xf32, #tpu.memory_space<vmem>> -> memref<128xf32, #tpu.memory_space<vmem>>
    %dma_start3A_28 = arith.constant 512 : i32
    %dma_start3A_29 = tpu.memref_slice %arg5[%dma_start3A_28] : memref<1536xi32, #tpu.memory_space<vmem>> -> memref<128xi32, #tpu.memory_space<vmem>>
    %dma_start3A_30 = arith.constant 0 : i32
    %dma_start3A_31 = tpu.memref_slice %arg2[%dma_start3A_30] : memref<589824xf32, #tpu.memory_space<hbm>> -> memref<589824xf32, #tpu.memory_space<hbm>>
    tpu.enqueue_indirect_dma source(%dma_start3A_31 : memref<589824xf32, #tpu.memory_space<hbm>>) target(%dma_start3A_27 : memref<128xf32, #tpu.memory_space<vmem>>) offsets(%dma_start3A_29 : memref<128xi32, #tpu.memory_space<vmem>>) semaphore(%arg8 : memref<!tpu.dma_semaphore, #tpu.memory_space<semaphore_mem>>)
    %dma_start3A_32 = arith.constant 640 : i32
    %dma_start3A_33 = tpu.memref_slice %arg6[%dma_start3A_32] : memref<1536xf32, #tpu.memory_space<vmem>> -> memref<128xf32, #tpu.memory_space<vmem>>
    %dma_start3A_34 = arith.constant 640 : i32
    %dma_start3A_35 = tpu.memref_slice %arg5[%dma_start3A_34] : memref<1536xi32, #tpu.memory_space<vmem>> -> memref<128xi32, #tpu.memory_space<vmem>>
    %dma_start3A_36 = arith.constant 0 : i32
    %dma_start3A_37 = tpu.memref_slice %arg2[%dma_start3A_36] : memref<589824xf32, #tpu.memory_space<hbm>> -> memref<589824xf32, #tpu.memory_space<hbm>>
    tpu.enqueue_indirect_dma source(%dma_start3A_37 : memref<589824xf32, #tpu.memory_space<hbm>>) target(%dma_start3A_33 : memref<128xf32, #tpu.memory_space<vmem>>) offsets(%dma_start3A_35 : memref<128xi32, #tpu.memory_space<vmem>>) semaphore(%arg8 : memref<!tpu.dma_semaphore, #tpu.memory_space<semaphore_mem>>)
    %dma_start3A_38 = arith.constant 768 : i32
    %dma_start3A_39 = tpu.memref_slice %arg6[%dma_start3A_38] : memref<1536xf32, #tpu.memory_space<vmem>> -> memref<128xf32, #tpu.memory_space<vmem>>
    %dma_start3A_40 = arith.constant 768 : i32
    %dma_start3A_41 = tpu.memref_slice %arg5[%dma_start3A_40] : memref<1536xi32, #tpu.memory_space<vmem>> -> memref<128xi32, #tpu.memory_space<vmem>>
    %dma_start3A_42 = arith.constant 0 : i32
    %dma_start3A_43 = tpu.memref_slice %arg2[%dma_start3A_42] : memref<589824xf32, #tpu.memory_space<hbm>> -> memref<589824xf32, #tpu.memory_space<hbm>>
    tpu.enqueue_indirect_dma source(%dma_start3A_43 : memref<589824xf32, #tpu.memory_space<hbm>>) target(%dma_start3A_39 : memref<128xf32, #tpu.memory_space<vmem>>) offsets(%dma_start3A_41 : memref<128xi32, #tpu.memory_space<vmem>>) semaphore(%arg8 : memref<!tpu.dma_semaphore, #tpu.memory_space<semaphore_mem>>)
    %dma_start3A_44 = arith.constant 896 : i32
    %dma_start3A_45 = tpu.memref_slice %arg6[%dma_start3A_44] : memref<1536xf32, #tpu.memory_space<vmem>> -> memref<128xf32, #tpu.memory_space<vmem>>
    %dma_start3A_46 = arith.constant 896 : i32
    %dma_start3A_47 = tpu.memref_slice %arg5[%dma_start3A_46] : memref<1536xi32, #tpu.memory_space<vmem>> -> memref<128xi32, #tpu.memory_space<vmem>>
    %dma_start3A_48 = arith.constant 0 : i32
    %dma_start3A_49 = tpu.memref_slice %arg2[%dma_start3A_48] : memref<589824xf32, #tpu.memory_space<hbm>> -> memref<589824xf32, #tpu.memory_space<hbm>>
    tpu.enqueue_indirect_dma source(%dma_start3A_49 : memref<589824xf32, #tpu.memory_space<hbm>>) target(%dma_start3A_45 : memref<128xf32, #tpu.memory_space<vmem>>) offsets(%dma_start3A_47 : memref<128xi32, #tpu.memory_space<vmem>>) semaphore(%arg8 : memref<!tpu.dma_semaphore, #tpu.memory_space<semaphore_mem>>)
    %dma_start3A_50 = arith.constant 1024 : i32
    %dma_start3A_51 = tpu.memref_slice %arg6[%dma_start3A_50] : memref<1536xf32, #tpu.memory_space<vmem>> -> memref<128xf32, #tpu.memory_space<vmem>>
    %dma_start3A_52 = arith.constant 1024 : i32
    %dma_start3A_53 = tpu.memref_slice %arg5[%dma_start3A_52] : memref<1536xi32, #tpu.memory_space<vmem>> -> memref<128xi32, #tpu.memory_space<vmem>>
    %dma_start3A_54 = arith.constant 0 : i32
    %dma_start3A_55 = tpu.memref_slice %arg2[%dma_start3A_54] : memref<589824xf32, #tpu.memory_space<hbm>> -> memref<589824xf32, #tpu.memory_space<hbm>>
    tpu.enqueue_indirect_dma source(%dma_start3A_55 : memref<589824xf32, #tpu.memory_space<hbm>>) target(%dma_start3A_51 : memref<128xf32, #tpu.memory_space<vmem>>) offsets(%dma_start3A_53 : memref<128xi32, #tpu.memory_space<vmem>>) semaphore(%arg8 : memref<!tpu.dma_semaphore, #tpu.memory_space<semaphore_mem>>)
    %dma_start3A_56 = arith.constant 1152 : i32
    %dma_start3A_57 = tpu.memref_slice %arg6[%dma_start3A_56] : memref<1536xf32, #tpu.memory_space<vmem>> -> memref<128xf32, #tpu.memory_space<vmem>>
    %dma_start3A_58 = arith.constant 1152 : i32
    %dma_start3A_59 = tpu.memref_slice %arg5[%dma_start3A_58] : memref<1536xi32, #tpu.memory_space<vmem>> -> memref<128xi32, #tpu.memory_space<vmem>>
    %dma_start3A_60 = arith.constant 0 : i32
    %dma_start3A_61 = tpu.memref_slice %arg2[%dma_start3A_60] : memref<589824xf32, #tpu.memory_space<hbm>> -> memref<589824xf32, #tpu.memory_space<hbm>>
    tpu.enqueue_indirect_dma source(%dma_start3A_61 : memref<589824xf32, #tpu.memory_space<hbm>>) target(%dma_start3A_57 : memref<128xf32, #tpu.memory_space<vmem>>) offsets(%dma_start3A_59 : memref<128xi32, #tpu.memory_space<vmem>>) semaphore(%arg8 : memref<!tpu.dma_semaphore, #tpu.memory_space<semaphore_mem>>)
    %dma_start3A_62 = arith.constant 1280 : i32
    %dma_start3A_63 = tpu.memref_slice %arg6[%dma_start3A_62] : memref<1536xf32, #tpu.memory_space<vmem>> -> memref<128xf32, #tpu.memory_space<vmem>>
    %dma_start3A_64 = arith.constant 1280 : i32
    %dma_start3A_65 = tpu.memref_slice %arg5[%dma_start3A_64] : memref<1536xi32, #tpu.memory_space<vmem>> -> memref<128xi32, #tpu.memory_space<vmem>>
    %dma_start3A_66 = arith.constant 0 : i32
    %dma_start3A_67 = tpu.memref_slice %arg2[%dma_start3A_66] : memref<589824xf32, #tpu.memory_space<hbm>> -> memref<589824xf32, #tpu.memory_space<hbm>>
    tpu.enqueue_indirect_dma source(%dma_start3A_67 : memref<589824xf32, #tpu.memory_space<hbm>>) target(%dma_start3A_63 : memref<128xf32, #tpu.memory_space<vmem>>) offsets(%dma_start3A_65 : memref<128xi32, #tpu.memory_space<vmem>>) semaphore(%arg8 : memref<!tpu.dma_semaphore, #tpu.memory_space<semaphore_mem>>)
    %dma_start3A_68 = arith.constant 1408 : i32
    %dma_start3A_69 = tpu.memref_slice %arg6[%dma_start3A_68] : memref<1536xf32, #tpu.memory_space<vmem>> -> memref<128xf32, #tpu.memory_space<vmem>>
    %dma_start3A_70 = arith.constant 1408 : i32
    %dma_start3A_71 = tpu.memref_slice %arg5[%dma_start3A_70] : memref<1536xi32, #tpu.memory_space<vmem>> -> memref<128xi32, #tpu.memory_space<vmem>>
    %dma_start3A_72 = arith.constant 0 : i32
    %dma_start3A_73 = tpu.memref_slice %arg2[%dma_start3A_72] : memref<589824xf32, #tpu.memory_space<hbm>> -> memref<589824xf32, #tpu.memory_space<hbm>>
    tpu.enqueue_indirect_dma source(%dma_start3A_73 : memref<589824xf32, #tpu.memory_space<hbm>>) target(%dma_start3A_69 : memref<128xf32, #tpu.memory_space<vmem>>) offsets(%dma_start3A_71 : memref<128xi32, #tpu.memory_space<vmem>>) semaphore(%arg8 : memref<!tpu.dma_semaphore, #tpu.memory_space<semaphore_mem>>)
    %dma_wait3A = arith.constant 0 : i32
    %dma_wait3A_74 = tpu.memref_slice %arg6[%dma_wait3A] : memref<1536xf32, #tpu.memory_space<vmem>> -> memref<128xf32, #tpu.memory_space<vmem>>
    %dma_wait3A_75 = arith.constant 0 : i32
    %dma_wait3A_76 = tpu.memref_slice %arg5[%dma_wait3A_75] : memref<1536xi32, #tpu.memory_space<vmem>> -> memref<128xi32, #tpu.memory_space<vmem>>
    %dma_wait3A_77 = arith.constant 0 : i32
    %dma_wait3A_78 = tpu.memref_slice %arg2[%dma_wait3A_77] : memref<589824xf32, #tpu.memory_space<hbm>> -> memref<589824xf32, #tpu.memory_space<hbm>>
    tpu.wait_indirect_dma semaphore(%arg8 : memref<!tpu.dma_semaphore, #tpu.memory_space<semaphore_mem>>) src(%dma_wait3A_78 : memref<589824xf32, #tpu.memory_space<hbm>>) dst(%dma_wait3A_74 : memref<128xf32, #tpu.memory_space<vmem>>)
    %get3A = arith.constant 0 : index
    %get3A_79 = tpu.vector_load %arg6[%get3A] {strides = array<i32>} : memref<1536xf32, #tpu.memory_space<vmem>>, vector<16xf32>,
    %exp3A = math.exp %get3A_79 : vector<16xf32>
    %add3A_80 = arith.constant 1.000000e+00 : f32
    %add3A_81 = vector.broadcast %add3A_80 : f32 to vector<16xf32>
    %add3A_82 = arith.addf %add3A_81, %exp3A : vector<16xf32>
    %div3A = arith.constant 1.000000e+00 : f32
    %div3A_83 = vector.broadcast %div3A : f32 to vector<16xf32>
    %div3A_84 = arith.divf %div3A_83, %add3A_82 : vector<16xf32>
    %swap3A = arith.constant 0 : index
    %swap3A_85 = tpu.vector_load %arg7[%swap3A] {strides = array<i32>} : memref<1536xf32, #tpu.memory_space<vmem>>, vector<16xf32>,
    tpu.vector_store %arg7[%swap3A], %div3A_84 {strides = array<i32>} : memref<1536xf32, #tpu.memory_space<vmem>>, vector<16xf32>,
    %get3A_86 = arith.constant 16 : index
    %get3A_87 = tpu.vector_load %arg6[%get3A_86] {strides = array<i32>} : memref<1536xf32, #tpu.memory_space<vmem>>, vector<16xf32>,
    %exp3A_88 = math.exp %get3A_87 : vector<16xf32>
    %add3A_89 = arith.constant 1.000000e+00 : f32
    %add3A_90 = vector.broadcast %add3A_89 : f32 to vector<16xf32>
    %add3A_91 = arith.addf %add3A_90, %exp3A_88 : vector<16xf32>
    %div3A_92 = arith.constant 1.000000e+00 : f32
    %div3A_93 = vector.broadcast %div3A_92 : f32 to vector<16xf32>
    %div3A_94 = arith.divf %div3A_93, %add3A_91 : vector<16xf32>
    %swap3A_95 = arith.constant 16 : index
    %swap3A_96 = tpu.vector_load %arg7[%swap3A_95] {strides = array<i32>} : memref<1536xf32, #tpu.memory_space<vmem>>, vector<16xf32>,
    tpu.vector_store %arg7[%swap3A_95], %div3A_94 {strides = array<i32>} : memref<1536xf32, #tpu.memory_space<vmem>>, vector<16xf32>,
    %get3A_97 = arith.constant 32 : index
    %get3A_98 = tpu.vector_load %arg6[%get3A_97] {strides = array<i32>} : memref<1536xf32, #tpu.memory_space<vmem>>, vector<16xf32>,
    %exp3A_99 = math.exp %get3A_98 : vector<16xf32>
    %add3A_100 = arith.constant 1.000000e+00 : f32
    %add3A_101 = vector.broadcast %add3A_100 : f32 to vector<16xf32>
    %add3A_102 = arith.addf %add3A_101, %exp3A_99 : vector<16xf32>
    %div3A_103 = arith.constant 1.000000e+00 : f32
    %div3A_104 = vector.broadcast %div3A_103 : f32 to vector<16xf32>
    %div3A_105 = arith.divf %div3A_104, %add3A_102 : vector<16xf32>
    %swap3A_106 = arith.constant 32 : index
    %swap3A_107 = tpu.vector_load %arg7[%swap3A_106] {strides = array<i32>} : memref<1536xf32, #tpu.memory_space<vmem>>, vector<16xf32>,
    tpu.vector_store %arg7[%swap3A_106], %div3A_105 {strides = array<i32>} : memref<1536xf32, #tpu.memory_space<vmem>>, vector<16xf32>,
    %get3A_108 = arith.constant 48 : index
    %get3A_109 = tpu.vector_load %arg6[%get3A_108] {strides = array<i32>} : memref<1536xf32, #tpu.memory_space<vmem>>, vector<16xf32>,
    %exp3A_110 = math.exp %get3A_109 : vector<16xf32>
    %add3A_111 = arith.constant 1.000000e+00 : f32
    %add3A_112 = vector.broadcast %add3A_111 : f32 to vector<16xf32>
    %add3A_113 = arith.addf %add3A_112, %exp3A_110 : vector<16xf32>
    %div3A_114 = arith.constant 1.000000e+00 : f32
    %div3A_115 = vector.broadcast %div3A_114 : f32 to vector<16xf32>
    %div3A_116 = arith.divf %div3A_115, %add3A_113 : vector<16xf32>
    %swap3A_117 = arith.constant 48 : index
    %swap3A_118 = tpu.vector_load %arg7[%swap3A_117] {strides = array<i32>} : memref<1536xf32, #tpu.memory_space<vmem>>, vector<16xf32>,
    tpu.vector_store %arg7[%swap3A_117], %div3A_116 {strides = array<i32>} : memref<1536xf32, #tpu.memory_space<vmem>>, vector<16xf32>,
    %get3A_119 = arith.constant 64 : index
    %get3A_120 = tpu.vector_load %arg6[%get3A_119] {strides = array<i32>} : memref<1536xf32, #tpu.memory_space<vmem>>, vector<16xf32>,
    %exp3A_121 = math.exp %get3A_120 : vector<16xf32>
    %add3A_122 = arith.constant 1.000000e+00 : f32
    %add3A_123 = vector.broadcast %add3A_122 : f32 to vector<16xf32>
    %add3A_124 = arith.addf %add3A_123, %exp3A_121 : vector<16xf32>
    %div3A_125 = arith.constant 1.000000e+00 : f32
    %div3A_126 = vector.broadcast %div3A_125 : f32 to vector<16xf32>
    %div3A_127 = arith.divf %div3A_126, %add3A_124 : vector<16xf32>
    %swap3A_128 = arith.constant 64 : index
    %swap3A_129 = tpu.vector_load %arg7[%swap3A_128] {strides = array<i32>} : memref<1536xf32, #tpu.memory_space<vmem>>, vector<16xf32>,
    tpu.vector_store %arg7[%swap3A_128], %div3A_127 {strides = array<i32>} : memref<1536xf32, #tpu.memory_space<vmem>>, vector<16xf32>,
    %get3A_130 = arith.constant 80 : index
    %get3A_131 = tpu.vector_load %arg6[%get3A_130] {strides = array<i32>} : memref<1536xf32, #tpu.memory_space<vmem>>, vector<16xf32>,
    %exp3A_132 = math.exp %get3A_131 : vector<16xf32>
    %add3A_133 = arith.constant 1.000000e+00 : f32
    %add3A_134 = vector.broadcast %add3A_133 : f32 to vector<16xf32>
    %add3A_135 = arith.addf %add3A_134, %exp3A_132 : vector<16xf32>
    %div3A_136 = arith.constant 1.000000e+00 : f32
    %div3A_137 = vector.broadcast %div3A_136 : f32 to vector<16xf32>
    %div3A_138 = arith.divf %div3A_137, %add3A_135 : vector<16xf32>
    %swap3A_139 = arith.constant 80 : index
    %swap3A_140 = tpu.vector_load %arg7[%swap3A_139] {strides = array<i32>} : memref<1536xf32, #tpu.memory_space<vmem>>, vector<16xf32>,
    tpu.vector_store %arg7[%swap3A_139], %div3A_138 {strides = array<i32>} : memref<1536xf32, #tpu.memory_space<vmem>>, vector<16xf32>,
    %get3A_141 = arith.constant 96 : index
    %get3A_142 = tpu.vector_load %arg6[%get3A_141] {strides = array<i32>} : memref<1536xf32, #tpu.memory_space<vmem>>, vector<16xf32>,
    %exp3A_143 = math.exp %get3A_142 : vector<16xf32>
    %add3A_144 = arith.constant 1.000000e+00 : f32
    %add3A_145 = vector.broadcast %add3A_144 : f32 to vector<16xf32>
    %add3A_146 = arith.addf %add3A_145, %exp3A_143 : vector<16xf32>
    %div3A_147 = arith.constant 1.000000e+00 : f32
    %div3A_148 = vector.broadcast %div3A_147 : f32 to vector<16xf32>
    %div3A_149 = arith.divf %div3A_148, %add3A_146 : vector<16xf32>
    %swap3A_150 = arith.constant 96 : index
    %swap3A_151 = tpu.vector_load %arg7[%swap3A_150] {strides = array<i32>} : memref<1536xf32, #tpu.memory_space<vmem>>, vector<16xf32>,
    tpu.vector_store %arg7[%swap3A_150], %div3A_149 {strides = array<i32>} : memref<1536xf32, #tpu.memory_space<vmem>>, vector<16xf32>,
    %get3A_152 = arith.constant 112 : index
    %get3A_153 = tpu.vector_load %arg6[%get3A_152] {strides = array<i32>} : memref<1536xf32, #tpu.memory_space<vmem>>, vector<16xf32>,
    %exp3A_154 = math.exp %get3A_153 : vector<16xf32>
    %add3A_155 = arith.constant 1.000000e+00 : f32
    %add3A_156 = vector.broadcast %add3A_155 : f32 to vector<16xf32>
    %add3A_157 = arith.addf %add3A_156, %exp3A_154 : vector<16xf32>
    %div3A_158 = arith.constant 1.000000e+00 : f32
    %div3A_159 = vector.broadcast %div3A_158 : f32 to vector<16xf32>
    %div3A_160 = arith.divf %div3A_159, %add3A_157 : vector<16xf32>
    %swap3A_161 = arith.constant 112 : index
    %swap3A_162 = tpu.vector_load %arg7[%swap3A_161] {strides = array<i32>} : memref<1536xf32, #tpu.memory_space<vmem>>, vector<16xf32>,
    tpu.vector_store %arg7[%swap3A_161], %div3A_160 {strides = array<i32>} : memref<1536xf32, #tpu.memory_space<vmem>>, vector<16xf32>,
    %dma_wait3A_163 = arith.constant 128 : i32
    %dma_wait3A_164 = tpu.memref_slice %arg6[%dma_wait3A_163] : memref<1536xf32, #tpu.memory_space<vmem>> -> memref<128xf32, #tpu.memory_space<vmem>>
    %dma_wait3A_165 = arith.constant 128 : i32
    %dma_wait3A_166 = tpu.memref_slice %arg5[%dma_wait3A_165] : memref<1536xi32, #tpu.memory_space<vmem>> -> memref<128xi32, #tpu.memory_space<vmem>>
    %dma_wait3A_167 = arith.constant 0 : i32
    %dma_wait3A_168 = tpu.memref_slice %arg2[%dma_wait3A_167] : memref<589824xf32, #tpu.memory_space<hbm>> -> memref<589824xf32, #tpu.memory_space<hbm>>
    tpu.wait_indirect_dma semaphore(%arg8 : memref<!tpu.dma_semaphore, #tpu.memory_space<semaphore_mem>>) src(%dma_wait3A_168 : memref<589824xf32, #tpu.memory_space<hbm>>) dst(%dma_wait3A_164 : memref<128xf32, #tpu.memory_space<vmem>>)
    %get3A_169 = arith.constant 128 : index
    %get3A_170 = tpu.vector_load %arg6[%get3A_169] {strides = array<i32>} : memref<1536xf32, #tpu.memory_space<vmem>>, vector<16xf32>,
    %exp3A_171 = math.exp %get3A_170 : vector<16xf32>
    %add3A_172 = arith.constant 1.000000e+00 : f32
    %add3A_173 = vector.broadcast %add3A_172 : f32 to vector<16xf32>
    %add3A_174 = arith.addf %add3A_173, %exp3A_171 : vector<16xf32>
    %div3A_175 = arith.constant 1.000000e+00 : f32
    %div3A_176 = vector.broadcast %div3A_175 : f32 to vector<16xf32>
    %div3A_177 = arith.divf %div3A_176, %add3A_174 : vector<16xf32>
    %swap3A_178 = arith.constant 128 : index
    %swap3A_179 = tpu.vector_load %arg7[%swap3A_178] {strides = array<i32>} : memref<1536xf32, #tpu.memory_space<vmem>>, vector<16xf32>,
    tpu.vector_store %arg7[%swap3A_178], %div3A_177 {strides = array<i32>} : memref<1536xf32, #tpu.memory_space<vmem>>, vector<16xf32>,
    %get3A_180 = arith.constant 144 : index
    %get3A_181 = tpu.vector_load %arg6[%get3A_180] {strides = array<i32>} : memref<1536xf32, #tpu.memory_space<vmem>>, vector<16xf32>,
    %exp3A_182 = math.exp %get3A_181 : vector<16xf32>
    %add3A_183 = arith.constant 1.000000e+00 : f32
    %add3A_184 = vector.broadcast %add3A_183 : f32 to vector<16xf32>
    %add3A_185 = arith.addf %add3A_184, %exp3A_182 : vector<16xf32>
    %div3A_186 = arith.constant 1.000000e+00 : f32
    %div3A_187 = vector.broadcast %div3A_186 : f32 to vector<16xf32>
    %div3A_188 = arith.divf %div3A_187, %add3A_185 : vector<16xf32>
    %swap3A_189 = arith.constant 144 : index
    %swap3A_190 = tpu.vector_load %arg7[%swap3A_189] {strides = array<i32>} : memref<1536xf32, #tpu.memory_space<vmem>>, vector<16xf32>,
    tpu.vector_store %arg7[%swap3A_189], %div3A_188 {strides = array<i32>} : memref<1536xf32, #tpu.memory_space<vmem>>, vector<16xf32>,
    %get3A_191 = arith.constant 160 : index
    %get3A_192 = tpu.vector_load %arg6[%get3A_191] {strides = array<i32>} : memref<1536xf32, #tpu.memory_space<vmem>>, vector<16xf32>,
    %exp3A_193 = math.exp %get3A_192 : vector<16xf32>
    %add3A_194 = arith.constant 1.000000e+00 : f32
    %add3A_195 = vector.broadcast %add3A_194 : f32 to vector<16xf32>
    %add3A_196 = arith.addf %add3A_195, %exp3A_193 : vector<16xf32>
    %div3A_197 = arith.constant 1.000000e+00 : f32
    %div3A_198 = vector.broadcast %div3A_197 : f32 to vector<16xf32>
    %div3A_199 = arith.divf %div3A_198, %add3A_196 : vector<16xf32>
    %swap3A_200 = arith.constant 160 : index
    %swap3A_201 = tpu.vector_load %arg7[%swap3A_200] {strides = array<i32>} : memref<1536xf32, #tpu.memory_space<vmem>>, vector<16xf32>,
    tpu.vector_store %arg7[%swap3A_200], %div3A_199 {strides = array<i32>} : memref<1536xf32, #tpu.memory_space<vmem>>, vector<16xf32>,
    %get3A_202 = arith.constant 176 : index
    %get3A_203 = tpu.vector_load %arg6[%get3A_202] {strides = array<i32>} : memref<1536xf32, #tpu.memory_space<vmem>>, vector<16xf32>,
    %exp3A_204 = math.exp %get3A_203 : vector<16xf32>
    %add3A_205 = arith.constant 1.000000e+00 : f32
    %add3A_206 = vector.broadcast %add3A_205 : f32 to vector<16xf32>
    %add3A_207 = arith.addf %add3A_206, %exp3A_204 : vector<16xf32>
    %div3A_208 = arith.constant 1.000000e+00 : f32
    %div3A_209 = vector.broadcast %div3A_208 : f32 to vector<16xf32>
    %div3A_210 = arith.divf %div3A_209, %add3A_207 : vector<16xf32>
    %swap3A_211 = arith.constant 176 : index
    %swap3A_212 = tpu.vector_load %arg7[%swap3A_211] {strides = array<i32>} : memref<1536xf32, #tpu.memory_space<vmem>>, vector<16xf32>,
    tpu.vector_store %arg7[%swap3A_211], %div3A_210 {strides = array<i32>} : memref<1536xf32, #tpu.memory_space<vmem>>, vector<16xf32>,
    %get3A_213 = arith.constant 192 : index
    %get3A_214 = tpu.vector_load %arg6[%get3A_213] {strides = array<i32>} : memref<1536xf32, #tpu.memory_space<vmem>>, vector<16xf32>,
    %exp3A_215 = math.exp %get3A_214 : vector<16xf32>
    %add3A_216 = arith.constant 1.000000e+00 : f32
    %add3A_217 = vector.broadcast %add3A_216 : f32 to vector<16xf32>
    %add3A_218 = arith.addf %add3A_217, %exp3A_215 : vector<16xf32>
    %div3A_219 = arith.constant 1.000000e+00 : f32
    %div3A_220 = vector.broadcast %div3A_219 : f32 to vector<16xf32>
    %div3A_221 = arith.divf %div3A_220, %add3A_218 : vector<16xf32>
    %swap3A_222 = arith.constant 192 : index
    %swap3A_223 = tpu.vector_load %arg7[%swap3A_222] {strides = array<i32>} : memref<1536xf32, #tpu.memory_space<vmem>>, vector<16xf32>,
    tpu.vector_store %arg7[%swap3A_222], %div3A_221 {strides = array<i32>} : memref<1536xf32, #tpu.memory_space<vmem>>, vector<16xf32>,
    %get3A_224 = arith.constant 208 : index
    %get3A_225 = tpu.vector_load %arg6[%get3A_224] {strides = array<i32>} : memref<1536xf32, #tpu.memory_space<vmem>>, vector<16xf32>,
    %exp3A_226 = math.exp %get3A_225 : vector<16xf32>
    %add3A_227 = arith.constant 1.000000e+00 : f32
    %add3A_228 = vector.broadcast %add3A_227 : f32 to vector<16xf32>
    %add3A_229 = arith.addf %add3A_228, %exp3A_226 : vector<16xf32>
    %div3A_230 = arith.constant 1.000000e+00 : f32
    %div3A_231 = vector.broadcast %div3A_230 : f32 to vector<16xf32>
    %div3A_232 = arith.divf %div3A_231, %add3A_229 : vector<16xf32>
    %swap3A_233 = arith.constant 208 : index
    %swap3A_234 = tpu.vector_load %arg7[%swap3A_233] {strides = array<i32>} : memref<1536xf32, #tpu.memory_space<vmem>>, vector<16xf32>,
    tpu.vector_store %arg7[%swap3A_233], %div3A_232 {strides = array<i32>} : memref<1536xf32, #tpu.memory_space<vmem>>, vector<16xf32>,
    %get3A_235 = arith.constant 224 : index
    %get3A_236 = tpu.vector_load %arg6[%get3A_235] {strides = array<i32>} : memref<1536xf32, #tpu.memory_space<vmem>>, vector<16xf32>,
    %exp3A_237 = math.exp %get3A_236 : vector<16xf32>
    %add3A_238 = arith.constant 1.000000e+00 : f32
    %add3A_239 = vector.broadcast %add3A_238 : f32 to vector<16xf32>
    %add3A_240 = arith.addf %add3A_239, %exp3A_237 : vector<16xf32>
    %div3A_241 = arith.constant 1.000000e+00 : f32
    %div3A_242 = vector.broadcast %div3A_241 : f32 to vector<16xf32>
    %div3A_243 = arith.divf %div3A_242, %add3A_240 : vector<16xf32>
    %swap3A_244 = arith.constant 224 : index
    %swap3A_245 = tpu.vector_load %arg7[%swap3A_244] {strides = array<i32>} : memref<1536xf32, #tpu.memory_space<vmem>>, vector<16xf32>,
    tpu.vector_store %arg7[%swap3A_244], %div3A_243 {strides = array<i32>} : memref<1536xf32, #tpu.memory_space<vmem>>, vector<16xf32>,
    %get3A_246 = arith.constant 240 : index
    %get3A_247 = tpu.vector_load %arg6[%get3A_246] {strides = array<i32>} : memref<1536xf32, #tpu.memory_space<vmem>>, vector<16xf32>,
    %exp3A_248 = math.exp %get3A_247 : vector<16xf32>
    %add3A_249 = arith.constant 1.000000e+00 : f32
    %add3A_250 = vector.broadcast %add3A_249 : f32 to vector<16xf32>
    %add3A_251 = arith.addf %add3A_250, %exp3A_248 : vector<16xf32>
    %div3A_252 = arith.constant 1.000000e+00 : f32
    %div3A_253 = vector.broadcast %div3A_252 : f32 to vector<16xf32>
    %div3A_254 = arith.divf %div3A_253, %add3A_251 : vector<16xf32>
    %swap3A_255 = arith.constant 240 : index
    %swap3A_256 = tpu.vector_load %arg7[%swap3A_255] {strides = array<i32>} : memref<1536xf32, #tpu.memory_space<vmem>>, vector<16xf32>,
    tpu.vector_store %arg7[%swap3A_255], %div3A_254 {strides = array<i32>} : memref<1536xf32, #tpu.memory_space<vmem>>, vector<16xf32>,
    %dma_wait3A_257 = arith.constant 256 : i32
    %dma_wait3A_258 = tpu.memref_slice %arg6[%dma_wait3A_257] : memref<1536xf32, #tpu.memory_space<vmem>> -> memref<128xf32, #tpu.memory_space<vmem>>
    %dma_wait3A_259 = arith.constant 256 : i32
    %dma_wait3A_260 = tpu.memref_slice %arg5[%dma_wait3A_259] : memref<1536xi32, #tpu.memory_space<vmem>> -> memref<128xi32, #tpu.memory_space<vmem>>
    %dma_wait3A_261 = arith.constant 0 : i32
    %dma_wait3A_262 = tpu.memref_slice %arg2[%dma_wait3A_261] : memref<589824xf32, #tpu.memory_space<hbm>> -> memref<589824xf32, #tpu.memory_space<hbm>>
    tpu.wait_indirect_dma semaphore(%arg8 : memref<!tpu.dma_semaphore, #tpu.memory_space<semaphore_mem>>) src(%dma_wait3A_262 : memref<589824xf32, #tpu.memory_space<hbm>>) dst(%dma_wait3A_258 : memref<128xf32, #tpu.memory_space<vmem>>)
    %get3A_263 = arith.constant 256 : index
    %get3A_264 = tpu.vector_load %arg6[%get3A_263] {strides = array<i32>} : memref<1536xf32, #tpu.memory_space<vmem>>, vector<16xf32>,
    %exp3A_265 = math.exp %get3A_264 : vector<16xf32>
    %add3A_266 = arith.constant 1.000000e+00 : f32
    %add3A_267 = vector.broadcast %add3A_266 : f32 to vector<16xf32>
    %add3A_268 = arith.addf %add3A_267, %exp3A_265 : vector<16xf32>
    %div3A_269 = arith.constant 1.000000e+00 : f32
    %div3A_270 = vector.broadcast %div3A_269 : f32 to vector<16xf32>
    %div3A_271 = arith.divf %div3A_270, %add3A_268 : vector<16xf32>
    %swap3A_272 = arith.constant 256 : index
    %swap3A_273 = tpu.vector_load %arg7[%swap3A_272] {strides = array<i32>} : memref<1536xf32, #tpu.memory_space<vmem>>, vector<16xf32>,
    tpu.vector_store %arg7[%swap3A_272], %div3A_271 {strides = array<i32>} : memref<1536xf32, #tpu.memory_space<vmem>>, vector<16xf32>,
    %get3A_274 = arith.constant 272 : index
    %get3A_275 = tpu.vector_load %arg6[%get3A_274] {strides = array<i32>} : memref<1536xf32, #tpu.memory_space<vmem>>, vector<16xf32>,
    %exp3A_276 = math.exp %get3A_275 : vector<16xf32>
    %add3A_277 = arith.constant 1.000000e+00 : f32
    %add3A_278 = vector.broadcast %add3A_277 : f32 to vector<16xf32>
    %add3A_279 = arith.addf %add3A_278, %exp3A_276 : vector<16xf32>
    %div3A_280 = arith.constant 1.000000e+00 : f32
    %div3A_281 = vector.broadcast %div3A_280 : f32 to vector<16xf32>
    %div3A_282 = arith.divf %div3A_281, %add3A_279 : vector<16xf32>
    %swap3A_283 = arith.constant 272 : index
    %swap3A_284 = tpu.vector_load %arg7[%swap3A_283] {strides = array<i32>} : memref<1536xf32, #tpu.memory_space<vmem>>, vector<16xf32>,
    tpu.vector_store %arg7[%swap3A_283], %div3A_282 {strides = array<i32>} : memref<1536xf32, #tpu.memory_space<vmem>>, vector<16xf32>,
    %get3A_285 = arith.constant 288 : index
    %get3A_286 = tpu.vector_load %arg6[%get3A_285] {strides = array<i32>} : memref<1536xf32, #tpu.memory_space<vmem>>, vector<16xf32>,
    %exp3A_287 = math.exp %get3A_286 : vector<16xf32>
    %add3A_288 = arith.constant 1.000000e+00 : f32
    %add3A_289 = vector.broadcast %add3A_288 : f32 to vector<16xf32>
    %add3A_290 = arith.addf %add3A_289, %exp3A_287 : vector<16xf32>
    %div3A_291 = arith.constant 1.000000e+00 : f32
    %div3A_292 = vector.broadcast %div3A_291 : f32 to vector<16xf32>
    %div3A_293 = arith.divf %div3A_292, %add3A_290 : vector<16xf32>
    %swap3A_294 = arith.constant 288 : index
    %swap3A_295 = tpu.vector_load %arg7[%swap3A_294] {strides = array<i32>} : memref<1536xf32, #tpu.memory_space<vmem>>, vector<16xf32>,
    tpu.vector_store %arg7[%swap3A_294], %div3A_293 {strides = array<i32>} : memref<1536xf32, #tpu.memory_space<vmem>>, vector<16xf32>,
    %get3A_296 = arith.constant 304 : index
    %get3A_297 = tpu.vector_load %arg6[%get3A_296] {strides = array<i32>} : memref<1536xf32, #tpu.memory_space<vmem>>, vector<16xf32>,
    %exp3A_298 = math.exp %get3A_297 : vector<16xf32>
    %add3A_299 = arith.constant 1.000000e+00 : f32
    %add3A_300 = vector.broadcast %add3A_299 : f32 to vector<16xf32>
    %add3A_301 = arith.addf %add3A_300, %exp3A_298 : vector<16xf32>
    %div3A_302 = arith.constant 1.000000e+00 : f32
    %div3A_303 = vector.broadcast %div3A_302 : f32 to vector<16xf32>
    %div3A_304 = arith.divf %div3A_303, %add3A_301 : vector<16xf32>
    %swap3A_305 = arith.constant 304 : index
    %swap3A_306 = tpu.vector_load %arg7[%swap3A_305] {strides = array<i32>} : memref<1536xf32, #tpu.memory_space<vmem>>, vector<16xf32>,
    tpu.vector_store %arg7[%swap3A_305], %div3A_304 {strides = array<i32>} : memref<1536xf32, #tpu.memory_space<vmem>>, vector<16xf32>,
    %get3A_307 = arith.constant 320 : index
    %get3A_308 = tpu.vector_load %arg6[%get3A_307] {strides = array<i32>} : memref<1536xf32, #tpu.memory_space<vmem>>, vector<16xf32>,
    %exp3A_309 = math.exp %get3A_308 : vector<16xf32>
    %add3A_310 = arith.constant 1.000000e+00 : f32
    %add3A_311 = vector.broadcast %add3A_310 : f32 to vector<16xf32>
    %add3A_312 = arith.addf %add3A_311, %exp3A_309 : vector<16xf32>
    %div3A_313 = arith.constant 1.000000e+00 : f32
    %div3A_314 = vector.broadcast %div3A_313 : f32 to vector<16xf32>
    %div3A_315 = arith.divf %div3A_314, %add3A_312 : vector<16xf32>
    %swap3A_316 = arith.constant 320 : index
    %swap3A_317 = tpu.vector_load %arg7[%swap3A_316] {strides = array<i32>} : memref<1536xf32, #tpu.memory_space<vmem>>, vector<16xf32>,
    tpu.vector_store %arg7[%swap3A_316], %div3A_315 {strides = array<i32>} : memref<1536xf32, #tpu.memory_space<vmem>>, vector<16xf32>,
    %get3A_318 = arith.constant 336 : index
    %get3A_319 = tpu.vector_load %arg6[%get3A_318] {strides = array<i32>} : memref<1536xf32, #tpu.memory_space<vmem>>, vector<16xf32>,
    %exp3A_320 = math.exp %get3A_319 : vector<16xf32>
    %add3A_321 = arith.constant 1.000000e+00 : f32
    %add3A_322 = vector.broadcast %add3A_321 : f32 to vector<16xf32>
    %add3A_323 = arith.addf %add3A_322, %exp3A_320 : vector<16xf32>
    %div3A_324 = arith.constant 1.000000e+00 : f32
    %div3A_325 = vector.broadcast %div3A_324 : f32 to vector<16xf32>
    %div3A_326 = arith.divf %div3A_325, %add3A_323 : vector<16xf32>
    %swap3A_327 = arith.constant 336 : index
    %swap3A_328 = tpu.vector_load %arg7[%swap3A_327] {strides = array<i32>} : memref<1536xf32, #tpu.memory_space<vmem>>, vector<16xf32>,
    tpu.vector_store %arg7[%swap3A_327], %div3A_326 {strides = array<i32>} : memref<1536xf32, #tpu.memory_space<vmem>>, vector<16xf32>,
    %get3A_329 = arith.constant 352 : index
    %get3A_330 = tpu.vector_load %arg6[%get3A_329] {strides = array<i32>} : memref<1536xf32, #tpu.memory_space<vmem>>, vector<16xf32>,
    %exp3A_331 = math.exp %get3A_330 : vector<16xf32>
    %add3A_332 = arith.constant 1.000000e+00 : f32
    %add3A_333 = vector.broadcast %add3A_332 : f32 to vector<16xf32>
    %add3A_334 = arith.addf %add3A_333, %exp3A_331 : vector<16xf32>
    %div3A_335 = arith.constant 1.000000e+00 : f32
    %div3A_336 = vector.broadcast %div3A_335 : f32 to vector<16xf32>
    %div3A_337 = arith.divf %div3A_336, %add3A_334 : vector<16xf32>
    %swap3A_338 = arith.constant 352 : index
    %swap3A_339 = tpu.vector_load %arg7[%swap3A_338] {strides = array<i32>} : memref<1536xf32, #tpu.memory_space<vmem>>, vector<16xf32>,
    tpu.vector_store %arg7[%swap3A_338], %div3A_337 {strides = array<i32>} : memref<1536xf32, #tpu.memory_space<vmem>>, vector<16xf32>,
    %get3A_340 = arith.constant 368 : index
    %get3A_341 = tpu.vector_load %arg6[%get3A_340] {strides = array<i32>} : memref<1536xf32, #tpu.memory_space<vmem>>, vector<16xf32>,
    %exp3A_342 = math.exp %get3A_341 : vector<16xf32>
    %add3A_343 = arith.constant 1.000000e+00 : f32
    %add3A_344 = vector.broadcast %add3A_343 : f32 to vector<16xf32>
    %add3A_345 = arith.addf %add3A_344, %exp3A_342 : vector<16xf32>
    %div3A_346 = arith.constant 1.000000e+00 : f32
    %div3A_347 = vector.broadcast %div3A_346 : f32 to vector<16xf32>
    %div3A_348 = arith.divf %div3A_347, %add3A_345 : vector<16xf32>
    %swap3A_349 = arith.constant 368 : index
    %swap3A_350 = tpu.vector_load %arg7[%swap3A_349] {strides = array<i32>} : memref<1536xf32, #tpu.memory_space<vmem>>, vector<16xf32>,
    tpu.vector_store %arg7[%swap3A_349], %div3A_348 {strides = array<i32>} : memref<1536xf32, #tpu.memory_space<vmem>>, vector<16xf32>,
    %dma_wait3A_351 = arith.constant 384 : i32
    %dma_wait3A_352 = tpu.memref_slice %arg6[%dma_wait3A_351] : memref<1536xf32, #tpu.memory_space<vmem>> -> memref<128xf32, #tpu.memory_space<vmem>>
    %dma_wait3A_353 = arith.constant 384 : i32
    %dma_wait3A_354 = tpu.memref_slice %arg5[%dma_wait3A_353] : memref<1536xi32, #tpu.memory_space<vmem>> -> memref<128xi32, #tpu.memory_space<vmem>>
    %dma_wait3A_355 = arith.constant 0 : i32
    %dma_wait3A_356 = tpu.memref_slice %arg2[%dma_wait3A_355] : memref<589824xf32, #tpu.memory_space<hbm>> -> memref<589824xf32, #tpu.memory_space<hbm>>
    tpu.wait_indirect_dma semaphore(%arg8 : memref<!tpu.dma_semaphore, #tpu.memory_space<semaphore_mem>>) src(%dma_wait3A_356 : memref<589824xf32, #tpu.memory_space<hbm>>) dst(%dma_wait3A_352 : memref<128xf32, #tpu.memory_space<vmem>>)
    %get3A_357 = arith.constant 384 : index
    %get3A_358 = tpu.vector_load %arg6[%get3A_357] {strides = array<i32>} : memref<1536xf32, #tpu.memory_space<vmem>>, vector<16xf32>,
    %exp3A_359 = math.exp %get3A_358 : vector<16xf32>
    %add3A_360 = arith.constant 1.000000e+00 : f32
    %add3A_361 = vector.broadcast %add3A_360 : f32 to vector<16xf32>
    %add3A_362 = arith.addf %add3A_361, %exp3A_359 : vector<16xf32>
    %div3A_363 = arith.constant 1.000000e+00 : f32
    %div3A_364 = vector.broadcast %div3A_363 : f32 to vector<16xf32>
    %div3A_365 = arith.divf %div3A_364, %add3A_362 : vector<16xf32>
    %swap3A_366 = arith.constant 384 : index
    %swap3A_367 = tpu.vector_load %arg7[%swap3A_366] {strides = array<i32>} : memref<1536xf32, #tpu.memory_space<vmem>>, vector<16xf32>,
    tpu.vector_store %arg7[%swap3A_366], %div3A_365 {strides = array<i32>} : memref<1536xf32, #tpu.memory_space<vmem>>, vector<16xf32>,
    %get3A_368 = arith.constant 400 : index
    %get3A_369 = tpu.vector_load %arg6[%get3A_368] {strides = array<i32>} : memref<1536xf32, #tpu.memory_space<vmem>>, vector<16xf32>,
    %exp3A_370 = math.exp %get3A_369 : vector<16xf32>
    %add3A_371 = arith.constant 1.000000e+00 : f32
    %add3A_372 = vector.broadcast %add3A_371 : f32 to vector<16xf32>
    %add3A_373 = arith.addf %add3A_372, %exp3A_370 : vector<16xf32>
    %div3A_374 = arith.constant 1.000000e+00 : f32
    %div3A_375 = vector.broadcast %div3A_374 : f32 to vector<16xf32>
    %div3A_376 = arith.divf %div3A_375, %add3A_373 : vector<16xf32>
    %swap3A_377 = arith.constant 400 : index
    %swap3A_378 = tpu.vector_load %arg7[%swap3A_377] {strides = array<i32>} : memref<1536xf32, #tpu.memory_space<vmem>>, vector<16xf32>,
    tpu.vector_store %arg7[%swap3A_377], %div3A_376 {strides = array<i32>} : memref<1536xf32, #tpu.memory_space<vmem>>, vector<16xf32>,
    %get3A_379 = arith.constant 416 : index
    %get3A_380 = tpu.vector_load %arg6[%get3A_379] {strides = array<i32>} : memref<1536xf32, #tpu.memory_space<vmem>>, vector<16xf32>,
    %exp3A_381 = math.exp %get3A_380 : vector<16xf32>
    %add3A_382 = arith.constant 1.000000e+00 : f32
    %add3A_383 = vector.broadcast %add3A_382 : f32 to vector<16xf32>
    %add3A_384 = arith.addf %add3A_383, %exp3A_381 : vector<16xf32>
    %div3A_385 = arith.constant 1.000000e+00 : f32
    %div3A_386 = vector.broadcast %div3A_385 : f32 to vector<16xf32>
    %div3A_387 = arith.divf %div3A_386, %add3A_384 : vector<16xf32>
    %swap3A_388 = arith.constant 416 : index
    %swap3A_389 = tpu.vector_load %arg7[%swap3A_388] {strides = array<i32>} : memref<1536xf32, #tpu.memory_space<vmem>>, vector<16xf32>,
    tpu.vector_store %arg7[%swap3A_388], %div3A_387 {strides = array<i32>} : memref<1536xf32, #tpu.memory_space<vmem>>, vector<16xf32>,
    %get3A_390 = arith.constant 432 : index
    %get3A_391 = tpu.vector_load %arg6[%get3A_390] {strides = array<i32>} : memref<1536xf32, #tpu.memory_space<vmem>>, vector<16xf32>,
    %exp3A_392 = math.exp %get3A_391 : vector<16xf32>
    %add3A_393 = arith.constant 1.000000e+00 : f32
    %add3A_394 = vector.broadcast %add3A_393 : f32 to vector<16xf32>
    %add3A_395 = arith.addf %add3A_394, %exp3A_392 : vector<16xf32>
    %div3A_396 = arith.constant 1.000000e+00 : f32
    %div3A_397 = vector.broadcast %div3A_396 : f32 to vector<16xf32>
    %div3A_398 = arith.divf %div3A_397, %add3A_395 : vector<16xf32>
    %swap3A_399 = arith.constant 432 : index
    %swap3A_400 = tpu.vector_load %arg7[%swap3A_399] {strides = array<i32>} : memref<1536xf32, #tpu.memory_space<vmem>>, vector<16xf32>,
    tpu.vector_store %arg7[%swap3A_399], %div3A_398 {strides = array<i32>} : memref<1536xf32, #tpu.memory_space<vmem>>, vector<16xf32>,
    %get3A_401 = arith.constant 448 : index
    %get3A_402 = tpu.vector_load %arg6[%get3A_401] {strides = array<i32>} : memref<1536xf32, #tpu.memory_space<vmem>>, vector<16xf32>,
    %exp3A_403 = math.exp %get3A_402 : vector<16xf32>
    %add3A_404 = arith.constant 1.000000e+00 : f32
    %add3A_405 = vector.broadcast %add3A_404 : f32 to vector<16xf32>
    %add3A_406 = arith.addf %add3A_405, %exp3A_403 : vector<16xf32>
    %div3A_407 = arith.constant 1.000000e+00 : f32
    %div3A_408 = vector.broadcast %div3A_407 : f32 to vector<16xf32>
    %div3A_409 = arith.divf %div3A_408, %add3A_406 : vector<16xf32>
    %swap3A_410 = arith.constant 448 : index
    %swap3A_411 = tpu.vector_load %arg7[%swap3A_410] {strides = array<i32>} : memref<1536xf32, #tpu.memory_space<vmem>>, vector<16xf32>,
    tpu.vector_store %arg7[%swap3A_410], %div3A_409 {strides = array<i32>} : memref<1536xf32, #tpu.memory_space<vmem>>, vector<16xf32>,
    %get3A_412 = arith.constant 464 : index
    %get3A_413 = tpu.vector_load %arg6[%get3A_412] {strides = array<i32>} : memref<1536xf32, #tpu.memory_space<vmem>>, vector<16xf32>,
    %exp3A_414 = math.exp %get3A_413 : vector<16xf32>
    %add3A_415 = arith.constant 1.000000e+00 : f32
    %add3A_416 = vector.broadcast %add3A_415 : f32 to vector<16xf32>
    %add3A_417 = arith.addf %add3A_416, %exp3A_414 : vector<16xf32>
    %div3A_418 = arith.constant 1.000000e+00 : f32
    %div3A_419 = vector.broadcast %div3A_418 : f32 to vector<16xf32>
    %div3A_420 = arith.divf %div3A_419, %add3A_417 : vector<16xf32>
    %swap3A_421 = arith.constant 464 : index
    %swap3A_422 = tpu.vector_load %arg7[%swap3A_421] {strides = array<i32>} : memref<1536xf32, #tpu.memory_space<vmem>>, vector<16xf32>,
    tpu.vector_store %arg7[%swap3A_421], %div3A_420 {strides = array<i32>} : memref<1536xf32, #tpu.memory_space<vmem>>, vector<16xf32>,
    %get3A_423 = arith.constant 480 : index
    %get3A_424 = tpu.vector_load %arg6[%get3A_423] {strides = array<i32>} : memref<1536xf32, #tpu.memory_space<vmem>>, vector<16xf32>,
    %exp3A_425 = math.exp %get3A_424 : vector<16xf32>
    %add3A_426 = arith.constant 1.000000e+00 : f32
    %add3A_427 = vector.broadcast %add3A_426 : f32 to vector<16xf32>
    %add3A_428 = arith.addf %add3A_427, %exp3A_425 : vector<16xf32>
    %div3A_429 = arith.constant 1.000000e+00 : f32
    %div3A_430 = vector.broadcast %div3A_429 : f32 to vector<16xf32>
    %div3A_431 = arith.divf %div3A_430, %add3A_428 : vector<16xf32>
    %swap3A_432 = arith.constant 480 : index
    %swap3A_433 = tpu.vector_load %arg7[%swap3A_432] {strides = array<i32>} : memref<1536xf32, #tpu.memory_space<vmem>>, vector<16xf32>,
    tpu.vector_store %arg7[%swap3A_432], %div3A_431 {strides = array<i32>} : memref<1536xf32, #tpu.memory_space<vmem>>, vector<16xf32>,
    %get3A_434 = arith.constant 496 : index
    %get3A_435 = tpu.vector_load %arg6[%get3A_434] {strides = array<i32>} : memref<1536xf32, #tpu.memory_space<vmem>>, vector<16xf32>,
    %exp3A_436 = math.exp %get3A_435 : vector<16xf32>
    %add3A_437 = arith.constant 1.000000e+00 : f32
    %add3A_438 = vector.broadcast %add3A_437 : f32 to vector<16xf32>
    %add3A_439 = arith.addf %add3A_438, %exp3A_436 : vector<16xf32>
    %div3A_440 = arith.constant 1.000000e+00 : f32
    %div3A_441 = vector.broadcast %div3A_440 : f32 to vector<16xf32>
    %div3A_442 = arith.divf %div3A_441, %add3A_439 : vector<16xf32>
    %swap3A_443 = arith.constant 496 : index
    %swap3A_444 = tpu.vector_load %arg7[%swap3A_443] {strides = array<i32>} : memref<1536xf32, #tpu.memory_space<vmem>>, vector<16xf32>,
    tpu.vector_store %arg7[%swap3A_443], %div3A_442 {strides = array<i32>} : memref<1536xf32, #tpu.memory_space<vmem>>, vector<16xf32>,
    %dma_wait3A_445 = arith.constant 512 : i32
    %dma_wait3A_446 = tpu.memref_slice %arg6[%dma_wait3A_445] : memref<1536xf32, #tpu.memory_space<vmem>> -> memref<128xf32, #tpu.memory_space<vmem>>
    %dma_wait3A_447 = arith.constant 512 : i32
    %dma_wait3A_448 = tpu.memref_slice %arg5[%dma_wait3A_447] : memref<1536xi32, #tpu.memory_space<vmem>> -> memref<128xi32, #tpu.memory_space<vmem>>
    %dma_wait3A_449 = arith.constant 0 : i32
    %dma_wait3A_450 = tpu.memref_slice %arg2[%dma_wait3A_449] : memref<589824xf32, #tpu.memory_space<hbm>> -> memref<589824xf32, #tpu.memory_space<hbm>>
    tpu.wait_indirect_dma semaphore(%arg8 : memref<!tpu.dma_semaphore, #tpu.memory_space<semaphore_mem>>) src(%dma_wait3A_450 : memref<589824xf32, #tpu.memory_space<hbm>>) dst(%dma_wait3A_446 : memref<128xf32, #tpu.memory_space<vmem>>)
    %get3A_451 = arith.constant 512 : index
    %get3A_452 = tpu.vector_load %arg6[%get3A_451] {strides = array<i32>} : memref<1536xf32, #tpu.memory_space<vmem>>, vector<16xf32>,
    %exp3A_453 = math.exp %get3A_452 : vector<16xf32>
    %add3A_454 = arith.constant 1.000000e+00 : f32
    %add3A_455 = vector.broadcast %add3A_454 : f32 to vector<16xf32>
    %add3A_456 = arith.addf %add3A_455, %exp3A_453 : vector<16xf32>
    %div3A_457 = arith.constant 1.000000e+00 : f32
    %div3A_458 = vector.broadcast %div3A_457 : f32 to vector<16xf32>
    %div3A_459 = arith.divf %div3A_458, %add3A_456 : vector<16xf32>
    %swap3A_460 = arith.constant 512 : index
    %swap3A_461 = tpu.vector_load %arg7[%swap3A_460] {strides = array<i32>} : memref<1536xf32, #tpu.memory_space<vmem>>, vector<16xf32>,
    tpu.vector_store %arg7[%swap3A_460], %div3A_459 {strides = array<i32>} : memref<1536xf32, #tpu.memory_space<vmem>>, vector<16xf32>,
    %get3A_462 = arith.constant 528 : index
    %get3A_463 = tpu.vector_load %arg6[%get3A_462] {strides = array<i32>} : memref<1536xf32, #tpu.memory_space<vmem>>, vector<16xf32>,
    %exp3A_464 = math.exp %get3A_463 : vector<16xf32>
    %add3A_465 = arith.constant 1.000000e+00 : f32
    %add3A_466 = vector.broadcast %add3A_465 : f32 to vector<16xf32>
    %add3A_467 = arith.addf %add3A_466, %exp3A_464 : vector<16xf32>
    %div3A_468 = arith.constant 1.000000e+00 : f32
    %div3A_469 = vector.broadcast %div3A_468 : f32 to vector<16xf32>
    %div3A_470 = arith.divf %div3A_469, %add3A_467 : vector<16xf32>
    %swap3A_471 = arith.constant 528 : index
    %swap3A_472 = tpu.vector_load %arg7[%swap3A_471] {strides = array<i32>} : memref<1536xf32, #tpu.memory_space<vmem>>, vector<16xf32>,
    tpu.vector_store %arg7[%swap3A_471], %div3A_470 {strides = array<i32>} : memref<1536xf32, #tpu.memory_space<vmem>>, vector<16xf32>,
    %get3A_473 = arith.constant 544 : index
    %get3A_474 = tpu.vector_load %arg6[%get3A_473] {strides = array<i32>} : memref<1536xf32, #tpu.memory_space<vmem>>, vector<16xf32>,
    %exp3A_475 = math.exp %get3A_474 : vector<16xf32>
    %add3A_476 = arith.constant 1.000000e+00 : f32
    %add3A_477 = vector.broadcast %add3A_476 : f32 to vector<16xf32>
    %add3A_478 = arith.addf %add3A_477, %exp3A_475 : vector<16xf32>
    %div3A_479 = arith.constant 1.000000e+00 : f32
    %div3A_480 = vector.broadcast %div3A_479 : f32 to vector<16xf32>
    %div3A_481 = arith.divf %div3A_480, %add3A_478 : vector<16xf32>
    %swap3A_482 = arith.constant 544 : index
    %swap3A_483 = tpu.vector_load %arg7[%swap3A_482] {strides = array<i32>} : memref<1536xf32, #tpu.memory_space<vmem>>, vector<16xf32>,
    tpu.vector_store %arg7[%swap3A_482], %div3A_481 {strides = array<i32>} : memref<1536xf32, #tpu.memory_space<vmem>>, vector<16xf32>,
    %get3A_484 = arith.constant 560 : index
    %get3A_485 = tpu.vector_load %arg6[%get3A_484] {strides = array<i32>} : memref<1536xf32, #tpu.memory_space<vmem>>, vector<16xf32>,
    %exp3A_486 = math.exp %get3A_485 : vector<16xf32>
    %add3A_487 = arith.constant 1.000000e+00 : f32
    %add3A_488 = vector.broadcast %add3A_487 : f32 to vector<16xf32>
    %add3A_489 = arith.addf %add3A_488, %exp3A_486 : vector<16xf32>
    %div3A_490 = arith.constant 1.000000e+00 : f32
    %div3A_491 = vector.broadcast %div3A_490 : f32 to vector<16xf32>
    %div3A_492 = arith.divf %div3A_491, %add3A_489 : vector<16xf32>
    %swap3A_493 = arith.constant 560 : index
    %swap3A_494 = tpu.vector_load %arg7[%swap3A_493] {strides = array<i32>} : memref<1536xf32, #tpu.memory_space<vmem>>, vector<16xf32>,
    tpu.vector_store %arg7[%swap3A_493], %div3A_492 {strides = array<i32>} : memref<1536xf32, #tpu.memory_space<vmem>>, vector<16xf32>,
    %get3A_495 = arith.constant 576 : index
    %get3A_496 = tpu.vector_load %arg6[%get3A_495] {strides = array<i32>} : memref<1536xf32, #tpu.memory_space<vmem>>, vector<16xf32>,
    %exp3A_497 = math.exp %get3A_496 : vector<16xf32>
    %add3A_498 = arith.constant 1.000000e+00 : f32
    %add3A_499 = vector.broadcast %add3A_498 : f32 to vector<16xf32>
    %add3A_500 = arith.addf %add3A_499, %exp3A_497 : vector<16xf32>
    %div3A_501 = arith.constant 1.000000e+00 : f32
    %div3A_502 = vector.broadcast %div3A_501 : f32 to vector<16xf32>
    %div3A_503 = arith.divf %div3A_502, %add3A_500 : vector<16xf32>
    %swap3A_504 = arith.constant 576 : index
    %swap3A_505 = tpu.vector_load %arg7[%swap3A_504] {strides = array<i32>} : memref<1536xf32, #tpu.memory_space<vmem>>, vector<16xf32>,
    tpu.vector_store %arg7[%swap3A_504], %div3A_503 {strides = array<i32>} : memref<1536xf32, #tpu.memory_space<vmem>>, vector<16xf32>,
    %get3A_506 = arith.constant 592 : index
    %get3A_507 = tpu.vector_load %arg6[%get3A_506] {strides = array<i32>} : memref<1536xf32, #tpu.memory_space<vmem>>, vector<16xf32>,
    %exp3A_508 = math.exp %get3A_507 : vector<16xf32>
    %add3A_509 = arith.constant 1.000000e+00 : f32
    %add3A_510 = vector.broadcast %add3A_509 : f32 to vector<16xf32>
    %add3A_511 = arith.addf %add3A_510, %exp3A_508 : vector<16xf32>
    %div3A_512 = arith.constant 1.000000e+00 : f32
    %div3A_513 = vector.broadcast %div3A_512 : f32 to vector<16xf32>
    %div3A_514 = arith.divf %div3A_513, %add3A_511 : vector<16xf32>
    %swap3A_515 = arith.constant 592 : index
    %swap3A_516 = tpu.vector_load %arg7[%swap3A_515] {strides = array<i32>} : memref<1536xf32, #tpu.memory_space<vmem>>, vector<16xf32>,
    tpu.vector_store %arg7[%swap3A_515], %div3A_514 {strides = array<i32>} : memref<1536xf32, #tpu.memory_space<vmem>>, vector<16xf32>,
    %get3A_517 = arith.constant 608 : index
    %get3A_518 = tpu.vector_load %arg6[%get3A_517] {strides = array<i32>} : memref<1536xf32, #tpu.memory_space<vmem>>, vector<16xf32>,
    %exp3A_519 = math.exp %get3A_518 : vector<16xf32>
    %add3A_520 = arith.constant 1.000000e+00 : f32
    %add3A_521 = vector.broadcast %add3A_520 : f32 to vector<16xf32>
    %add3A_522 = arith.addf %add3A_521, %exp3A_519 : vector<16xf32>
    %div3A_523 = arith.constant 1.000000e+00 : f32
    %div3A_524 = vector.broadcast %div3A_523 : f32 to vector<16xf32>
    %div3A_525 = arith.divf %div3A_524, %add3A_522 : vector<16xf32>
    %swap3A_526 = arith.constant 608 : index
    %swap3A_527 = tpu.vector_load %arg7[%swap3A_526] {strides = array<i32>} : memref<1536xf32, #tpu.memory_space<vmem>>, vector<16xf32>,
    tpu.vector_store %arg7[%swap3A_526], %div3A_525 {strides = array<i32>} : memref<1536xf32, #tpu.memory_space<vmem>>, vector<16xf32>,
    %get3A_528 = arith.constant 624 : index
    %get3A_529 = tpu.vector_load %arg6[%get3A_528] {strides = array<i32>} : memref<1536xf32, #tpu.memory_space<vmem>>, vector<16xf32>,
    %exp3A_530 = math.exp %get3A_529 : vector<16xf32>
    %add3A_531 = arith.constant 1.000000e+00 : f32
    %add3A_532 = vector.broadcast %add3A_531 : f32 to vector<16xf32>
    %add3A_533 = arith.addf %add3A_532, %exp3A_530 : vector<16xf32>
    %div3A_534 = arith.constant 1.000000e+00 : f32
    %div3A_535 = vector.broadcast %div3A_534 : f32 to vector<16xf32>
    %div3A_536 = arith.divf %div3A_535, %add3A_533 : vector<16xf32>
    %swap3A_537 = arith.constant 624 : index
    %swap3A_538 = tpu.vector_load %arg7[%swap3A_537] {strides = array<i32>} : memref<1536xf32, #tpu.memory_space<vmem>>, vector<16xf32>,
    tpu.vector_store %arg7[%swap3A_537], %div3A_536 {strides = array<i32>} : memref<1536xf32, #tpu.memory_space<vmem>>, vector<16xf32>,
    %dma_wait3A_539 = arith.constant 640 : i32
    %dma_wait3A_540 = tpu.memref_slice %arg6[%dma_wait3A_539] : memref<1536xf32, #tpu.memory_space<vmem>> -> memref<128xf32, #tpu.memory_space<vmem>>
    %dma_wait3A_541 = arith.constant 640 : i32
    %dma_wait3A_542 = tpu.memref_slice %arg5[%dma_wait3A_541] : memref<1536xi32, #tpu.memory_space<vmem>> -> memref<128xi32, #tpu.memory_space<vmem>>
    %dma_wait3A_543 = arith.constant 0 : i32
    %dma_wait3A_544 = tpu.memref_slice %arg2[%dma_wait3A_543] : memref<589824xf32, #tpu.memory_space<hbm>> -> memref<589824xf32, #tpu.memory_space<hbm>>
    tpu.wait_indirect_dma semaphore(%arg8 : memref<!tpu.dma_semaphore, #tpu.memory_space<semaphore_mem>>) src(%dma_wait3A_544 : memref<589824xf32, #tpu.memory_space<hbm>>) dst(%dma_wait3A_540 : memref<128xf32, #tpu.memory_space<vmem>>)
    %get3A_545 = arith.constant 640 : index
    %get3A_546 = tpu.vector_load %arg6[%get3A_545] {strides = array<i32>} : memref<1536xf32, #tpu.memory_space<vmem>>, vector<16xf32>,
    %exp3A_547 = math.exp %get3A_546 : vector<16xf32>
    %add3A_548 = arith.constant 1.000000e+00 : f32
    %add3A_549 = vector.broadcast %add3A_548 : f32 to vector<16xf32>
    %add3A_550 = arith.addf %add3A_549, %exp3A_547 : vector<16xf32>
    %div3A_551 = arith.constant 1.000000e+00 : f32
    %div3A_552 = vector.broadcast %div3A_551 : f32 to vector<16xf32>
    %div3A_553 = arith.divf %div3A_552, %add3A_550 : vector<16xf32>
    %swap3A_554 = arith.constant 640 : index
    %swap3A_555 = tpu.vector_load %arg7[%swap3A_554] {strides = array<i32>} : memref<1536xf32, #tpu.memory_space<vmem>>, vector<16xf32>,
    tpu.vector_store %arg7[%swap3A_554], %div3A_553 {strides = array<i32>} : memref<1536xf32, #tpu.memory_space<vmem>>, vector<16xf32>,
    %get3A_556 = arith.constant 656 : index
    %get3A_557 = tpu.vector_load %arg6[%get3A_556] {strides = array<i32>} : memref<1536xf32, #tpu.memory_space<vmem>>, vector<16xf32>,
    %exp3A_558 = math.exp %get3A_557 : vector<16xf32>
    %add3A_559 = arith.constant 1.000000e+00 : f32
    %add3A_560 = vector.broadcast %add3A_559 : f32 to vector<16xf32>
    %add3A_561 = arith.addf %add3A_560, %exp3A_558 : vector<16xf32>
    %div3A_562 = arith.constant 1.000000e+00 : f32
    %div3A_563 = vector.broadcast %div3A_562 : f32 to vector<16xf32>
    %div3A_564 = arith.divf %div3A_563, %add3A_561 : vector<16xf32>
    %swap3A_565 = arith.constant 656 : index
    %swap3A_566 = tpu.vector_load %arg7[%swap3A_565] {strides = array<i32>} : memref<1536xf32, #tpu.memory_space<vmem>>, vector<16xf32>,
    tpu.vector_store %arg7[%swap3A_565], %div3A_564 {strides = array<i32>} : memref<1536xf32, #tpu.memory_space<vmem>>, vector<16xf32>,
    %get3A_567 = arith.constant 672 : index
    %get3A_568 = tpu.vector_load %arg6[%get3A_567] {strides = array<i32>} : memref<1536xf32, #tpu.memory_space<vmem>>, vector<16xf32>,
    %exp3A_569 = math.exp %get3A_568 : vector<16xf32>
    %add3A_570 = arith.constant 1.000000e+00 : f32
    %add3A_571 = vector.broadcast %add3A_570 : f32 to vector<16xf32>
    %add3A_572 = arith.addf %add3A_571, %exp3A_569 : vector<16xf32>
    %div3A_573 = arith.constant 1.000000e+00 : f32
    %div3A_574 = vector.broadcast %div3A_573 : f32 to vector<16xf32>
    %div3A_575 = arith.divf %div3A_574, %add3A_572 : vector<16xf32>
    %swap3A_576 = arith.constant 672 : index
    %swap3A_577 = tpu.vector_load %arg7[%swap3A_576] {strides = array<i32>} : memref<1536xf32, #tpu.memory_space<vmem>>, vector<16xf32>,
    tpu.vector_store %arg7[%swap3A_576], %div3A_575 {strides = array<i32>} : memref<1536xf32, #tpu.memory_space<vmem>>, vector<16xf32>,
    %get3A_578 = arith.constant 688 : index
    %get3A_579 = tpu.vector_load %arg6[%get3A_578] {strides = array<i32>} : memref<1536xf32, #tpu.memory_space<vmem>>, vector<16xf32>,
    %exp3A_580 = math.exp %get3A_579 : vector<16xf32>
    %add3A_581 = arith.constant 1.000000e+00 : f32
    %add3A_582 = vector.broadcast %add3A_581 : f32 to vector<16xf32>
    %add3A_583 = arith.addf %add3A_582, %exp3A_580 : vector<16xf32>
    %div3A_584 = arith.constant 1.000000e+00 : f32
    %div3A_585 = vector.broadcast %div3A_584 : f32 to vector<16xf32>
    %div3A_586 = arith.divf %div3A_585, %add3A_583 : vector<16xf32>
    %swap3A_587 = arith.constant 688 : index
    %swap3A_588 = tpu.vector_load %arg7[%swap3A_587] {strides = array<i32>} : memref<1536xf32, #tpu.memory_space<vmem>>, vector<16xf32>,
    tpu.vector_store %arg7[%swap3A_587], %div3A_586 {strides = array<i32>} : memref<1536xf32, #tpu.memory_space<vmem>>, vector<16xf32>,
    %get3A_589 = arith.constant 704 : index
    %get3A_590 = tpu.vector_load %arg6[%get3A_589] {strides = array<i32>} : memref<1536xf32, #tpu.memory_space<vmem>>, vector<16xf32>,
    %exp3A_591 = math.exp %get3A_590 : vector<16xf32>
    %add3A_592 = arith.constant 1.000000e+00 : f32
    %add3A_593 = vector.broadcast %add3A_592 : f32 to vector<16xf32>
    %add3A_594 = arith.addf %add3A_593, %exp3A_591 : vector<16xf32>
    %div3A_595 = arith.constant 1.000000e+00 : f32
    %div3A_596 = vector.broadcast %div3A_595 : f32 to vector<16xf32>
    %div3A_597 = arith.divf %div3A_596, %add3A_594 : vector<16xf32>
    %swap3A_598 = arith.constant 704 : index
    %swap3A_599 = tpu.vector_load %arg7[%swap3A_598] {strides = array<i32>} : memref<1536xf32, #tpu.memory_space<vmem>>, vector<16xf32>,
    tpu.vector_store %arg7[%swap3A_598], %div3A_597 {strides = array<i32>} : memref<1536xf32, #tpu.memory_space<vmem>>, vector<16xf32>,
    %get3A_600 = arith.constant 720 : index
    %get3A_601 = tpu.vector_load %arg6[%get3A_600] {strides = array<i32>} : memref<1536xf32, #tpu.memory_space<vmem>>, vector<16xf32>,
    %exp3A_602 = math.exp %get3A_601 : vector<16xf32>
    %add3A_603 = arith.constant 1.000000e+00 : f32
    %add3A_604 = vector.broadcast %add3A_603 : f32 to vector<16xf32>
    %add3A_605 = arith.addf %add3A_604, %exp3A_602 : vector<16xf32>
    %div3A_606 = arith.constant 1.000000e+00 : f32
    %div3A_607 = vector.broadcast %div3A_606 : f32 to vector<16xf32>
    %div3A_608 = arith.divf %div3A_607, %add3A_605 : vector<16xf32>
    %swap3A_609 = arith.constant 720 : index
    %swap3A_610 = tpu.vector_load %arg7[%swap3A_609] {strides = array<i32>} : memref<1536xf32, #tpu.memory_space<vmem>>, vector<16xf32>,
    tpu.vector_store %arg7[%swap3A_609], %div3A_608 {strides = array<i32>} : memref<1536xf32, #tpu.memory_space<vmem>>, vector<16xf32>,
    %get3A_611 = arith.constant 736 : index
    %get3A_612 = tpu.vector_load %arg6[%get3A_611] {strides = array<i32>} : memref<1536xf32, #tpu.memory_space<vmem>>, vector<16xf32>,
    %exp3A_613 = math.exp %get3A_612 : vector<16xf32>
    %add3A_614 = arith.constant 1.000000e+00 : f32
    %add3A_615 = vector.broadcast %add3A_614 : f32 to vector<16xf32>
    %add3A_616 = arith.addf %add3A_615, %exp3A_613 : vector<16xf32>
    %div3A_617 = arith.constant 1.000000e+00 : f32
    %div3A_618 = vector.broadcast %div3A_617 : f32 to vector<16xf32>
    %div3A_619 = arith.divf %div3A_618, %add3A_616 : vector<16xf32>
    %swap3A_620 = arith.constant 736 : index
    %swap3A_621 = tpu.vector_load %arg7[%swap3A_620] {strides = array<i32>} : memref<1536xf32, #tpu.memory_space<vmem>>, vector<16xf32>,
    tpu.vector_store %arg7[%swap3A_620], %div3A_619 {strides = array<i32>} : memref<1536xf32, #tpu.memory_space<vmem>>, vector<16xf32>,
    %get3A_622 = arith.constant 752 : index
    %get3A_623 = tpu.vector_load %arg6[%get3A_622] {strides = array<i32>} : memref<1536xf32, #tpu.memory_space<vmem>>, vector<16xf32>,
    %exp3A_624 = math.exp %get3A_623 : vector<16xf32>
    %add3A_625 = arith.constant 1.000000e+00 : f32
    %add3A_626 = vector.broadcast %add3A_625 : f32 to vector<16xf32>
    %add3A_627 = arith.addf %add3A_626, %exp3A_624 : vector<16xf32>
    %div3A_628 = arith.constant 1.000000e+00 : f32
    %div3A_629 = vector.broadcast %div3A_628 : f32 to vector<16xf32>
    %div3A_630 = arith.divf %div3A_629, %add3A_627 : vector<16xf32>
    %swap3A_631 = arith.constant 752 : index
    %swap3A_632 = tpu.vector_load %arg7[%swap3A_631] {strides = array<i32>} : memref<1536xf32, #tpu.memory_space<vmem>>, vector<16xf32>,
    tpu.vector_store %arg7[%swap3A_631], %div3A_630 {strides = array<i32>} : memref<1536xf32, #tpu.memory_space<vmem>>, vector<16xf32>,
    %dma_wait3A_633 = arith.constant 768 : i32
    %dma_wait3A_634 = tpu.memref_slice %arg6[%dma_wait3A_633] : memref<1536xf32, #tpu.memory_space<vmem>> -> memref<128xf32, #tpu.memory_space<vmem>>
    %dma_wait3A_635 = arith.constant 768 : i32
    %dma_wait3A_636 = tpu.memref_slice %arg5[%dma_wait3A_635] : memref<1536xi32, #tpu.memory_space<vmem>> -> memref<128xi32, #tpu.memory_space<vmem>>
    %dma_wait3A_637 = arith.constant 0 : i32
    %dma_wait3A_638 = tpu.memref_slice %arg2[%dma_wait3A_637] : memref<589824xf32, #tpu.memory_space<hbm>> -> memref<589824xf32, #tpu.memory_space<hbm>>
    tpu.wait_indirect_dma semaphore(%arg8 : memref<!tpu.dma_semaphore, #tpu.memory_space<semaphore_mem>>) src(%dma_wait3A_638 : memref<589824xf32, #tpu.memory_space<hbm>>) dst(%dma_wait3A_634 : memref<128xf32, #tpu.memory_space<vmem>>)
    %get3A_639 = arith.constant 768 : index
    %get3A_640 = tpu.vector_load %arg6[%get3A_639] {strides = array<i32>} : memref<1536xf32, #tpu.memory_space<vmem>>, vector<16xf32>,
    %exp3A_641 = math.exp %get3A_640 : vector<16xf32>
    %add3A_642 = arith.constant 1.000000e+00 : f32
    %add3A_643 = vector.broadcast %add3A_642 : f32 to vector<16xf32>
    %add3A_644 = arith.addf %add3A_643, %exp3A_641 : vector<16xf32>
    %div3A_645 = arith.constant 1.000000e+00 : f32
    %div3A_646 = vector.broadcast %div3A_645 : f32 to vector<16xf32>
    %div3A_647 = arith.divf %div3A_646, %add3A_644 : vector<16xf32>
    %swap3A_648 = arith.constant 768 : index
    %swap3A_649 = tpu.vector_load %arg7[%swap3A_648] {strides = array<i32>} : memref<1536xf32, #tpu.memory_space<vmem>>, vector<16xf32>,
    tpu.vector_store %arg7[%swap3A_648], %div3A_647 {strides = array<i32>} : memref<1536xf32, #tpu.memory_space<vmem>>, vector<16xf32>,
    %get3A_650 = arith.constant 784 : index
    %get3A_651 = tpu.vector_load %arg6[%get3A_650] {strides = array<i32>} : memref<1536xf32, #tpu.memory_space<vmem>>, vector<16xf32>,
    %exp3A_652 = math.exp %get3A_651 : vector<16xf32>
    %add3A_653 = arith.constant 1.000000e+00 : f32
    %add3A_654 = vector.broadcast %add3A_653 : f32 to vector<16xf32>
    %add3A_655 = arith.addf %add3A_654, %exp3A_652 : vector<16xf32>
    %div3A_656 = arith.constant 1.000000e+00 : f32
    %div3A_657 = vector.broadcast %div3A_656 : f32 to vector<16xf32>
    %div3A_658 = arith.divf %div3A_657, %add3A_655 : vector<16xf32>
    %swap3A_659 = arith.constant 784 : index
    %swap3A_660 = tpu.vector_load %arg7[%swap3A_659] {strides = array<i32>} : memref<1536xf32, #tpu.memory_space<vmem>>, vector<16xf32>,
    tpu.vector_store %arg7[%swap3A_659], %div3A_658 {strides = array<i32>} : memref<1536xf32, #tpu.memory_space<vmem>>, vector<16xf32>,
    %get3A_661 = arith.constant 800 : index
    %get3A_662 = tpu.vector_load %arg6[%get3A_661] {strides = array<i32>} : memref<1536xf32, #tpu.memory_space<vmem>>, vector<16xf32>,
    %exp3A_663 = math.exp %get3A_662 : vector<16xf32>
    %add3A_664 = arith.constant 1.000000e+00 : f32
    %add3A_665 = vector.broadcast %add3A_664 : f32 to vector<16xf32>
    %add3A_666 = arith.addf %add3A_665, %exp3A_663 : vector<16xf32>
    %div3A_667 = arith.constant 1.000000e+00 : f32
    %div3A_668 = vector.broadcast %div3A_667 : f32 to vector<16xf32>
    %div3A_669 = arith.divf %div3A_668, %add3A_666 : vector<16xf32>
    %swap3A_670 = arith.constant 800 : index
    %swap3A_671 = tpu.vector_load %arg7[%swap3A_670] {strides = array<i32>} : memref<1536xf32, #tpu.memory_space<vmem>>, vector<16xf32>,
    tpu.vector_store %arg7[%swap3A_670], %div3A_669 {strides = array<i32>} : memref<1536xf32, #tpu.memory_space<vmem>>, vector<16xf32>,
    %get3A_672 = arith.constant 816 : index
    %get3A_673 = tpu.vector_load %arg6[%get3A_672] {strides = array<i32>} : memref<1536xf32, #tpu.memory_space<vmem>>, vector<16xf32>,
    %exp3A_674 = math.exp %get3A_673 : vector<16xf32>
    %add3A_675 = arith.constant 1.000000e+00 : f32
    %add3A_676 = vector.broadcast %add3A_675 : f32 to vector<16xf32>
    %add3A_677 = arith.addf %add3A_676, %exp3A_674 : vector<16xf32>
    %div3A_678 = arith.constant 1.000000e+00 : f32
    %div3A_679 = vector.broadcast %div3A_678 : f32 to vector<16xf32>
    %div3A_680 = arith.divf %div3A_679, %add3A_677 : vector<16xf32>
    %swap3A_681 = arith.constant 816 : index
    %swap3A_682 = tpu.vector_load %arg7[%swap3A_681] {strides = array<i32>} : memref<1536xf32, #tpu.memory_space<vmem>>, vector<16xf32>,
    tpu.vector_store %arg7[%swap3A_681], %div3A_680 {strides = array<i32>} : memref<1536xf32, #tpu.memory_space<vmem>>, vector<16xf32>,
    %get3A_683 = arith.constant 832 : index
    %get3A_684 = tpu.vector_load %arg6[%get3A_683] {strides = array<i32>} : memref<1536xf32, #tpu.memory_space<vmem>>, vector<16xf32>,
    %exp3A_685 = math.exp %get3A_684 : vector<16xf32>
    %add3A_686 = arith.constant 1.000000e+00 : f32
    %add3A_687 = vector.broadcast %add3A_686 : f32 to vector<16xf32>
    %add3A_688 = arith.addf %add3A_687, %exp3A_685 : vector<16xf32>
    %div3A_689 = arith.constant 1.000000e+00 : f32
    %div3A_690 = vector.broadcast %div3A_689 : f32 to vector<16xf32>
    %div3A_691 = arith.divf %div3A_690, %add3A_688 : vector<16xf32>
    %swap3A_692 = arith.constant 832 : index
    %swap3A_693 = tpu.vector_load %arg7[%swap3A_692] {strides = array<i32>} : memref<1536xf32, #tpu.memory_space<vmem>>, vector<16xf32>,
    tpu.vector_store %arg7[%swap3A_692], %div3A_691 {strides = array<i32>} : memref<1536xf32, #tpu.memory_space<vmem>>, vector<16xf32>,
    %get3A_694 = arith.constant 848 : index
    %get3A_695 = tpu.vector_load %arg6[%get3A_694] {strides = array<i32>} : memref<1536xf32, #tpu.memory_space<vmem>>, vector<16xf32>,
    %exp3A_696 = math.exp %get3A_695 : vector<16xf32>
    %add3A_697 = arith.constant 1.000000e+00 : f32
    %add3A_698 = vector.broadcast %add3A_697 : f32 to vector<16xf32>
    %add3A_699 = arith.addf %add3A_698, %exp3A_696 : vector<16xf32>
    %div3A_700 = arith.constant 1.000000e+00 : f32
    %div3A_701 = vector.broadcast %div3A_700 : f32 to vector<16xf32>
    %div3A_702 = arith.divf %div3A_701, %add3A_699 : vector<16xf32>
    %swap3A_703 = arith.constant 848 : index
    %swap3A_704 = tpu.vector_load %arg7[%swap3A_703] {strides = array<i32>} : memref<1536xf32, #tpu.memory_space<vmem>>, vector<16xf32>,
    tpu.vector_store %arg7[%swap3A_703], %div3A_702 {strides = array<i32>} : memref<1536xf32, #tpu.memory_space<vmem>>, vector<16xf32>,
    %get3A_705 = arith.constant 864 : index
    %get3A_706 = tpu.vector_load %arg6[%get3A_705] {strides = array<i32>} : memref<1536xf32, #tpu.memory_space<vmem>>, vector<16xf32>,
    %exp3A_707 = math.exp %get3A_706 : vector<16xf32>
    %add3A_708 = arith.constant 1.000000e+00 : f32
    %add3A_709 = vector.broadcast %add3A_708 : f32 to vector<16xf32>
    %add3A_710 = arith.addf %add3A_709, %exp3A_707 : vector<16xf32>
    %div3A_711 = arith.constant 1.000000e+00 : f32
    %div3A_712 = vector.broadcast %div3A_711 : f32 to vector<16xf32>
    %div3A_713 = arith.divf %div3A_712, %add3A_710 : vector<16xf32>
    %swap3A_714 = arith.constant 864 : index
    %swap3A_715 = tpu.vector_load %arg7[%swap3A_714] {strides = array<i32>} : memref<1536xf32, #tpu.memory_space<vmem>>, vector<16xf32>,
    tpu.vector_store %arg7[%swap3A_714], %div3A_713 {strides = array<i32>} : memref<1536xf32, #tpu.memory_space<vmem>>, vector<16xf32>,
    %get3A_716 = arith.constant 880 : index
    %get3A_717 = tpu.vector_load %arg6[%get3A_716] {strides = array<i32>} : memref<1536xf32, #tpu.memory_space<vmem>>, vector<16xf32>,
    %exp3A_718 = math.exp %get3A_717 : vector<16xf32>
    %add3A_719 = arith.constant 1.000000e+00 : f32
    %add3A_720 = vector.broadcast %add3A_719 : f32 to vector<16xf32>
    %add3A_721 = arith.addf %add3A_720, %exp3A_718 : vector<16xf32>
    %div3A_722 = arith.constant 1.000000e+00 : f32
    %div3A_723 = vector.broadcast %div3A_722 : f32 to vector<16xf32>
    %div3A_724 = arith.divf %div3A_723, %add3A_721 : vector<16xf32>
    %swap3A_725 = arith.constant 880 : index
    %swap3A_726 = tpu.vector_load %arg7[%swap3A_725] {strides = array<i32>} : memref<1536xf32, #tpu.memory_space<vmem>>, vector<16xf32>,
    tpu.vector_store %arg7[%swap3A_725], %div3A_724 {strides = array<i32>} : memref<1536xf32, #tpu.memory_space<vmem>>, vector<16xf32>,
    %dma_wait3A_727 = arith.constant 896 : i32
    %dma_wait3A_728 = tpu.memref_slice %arg6[%dma_wait3A_727] : memref<1536xf32, #tpu.memory_space<vmem>> -> memref<128xf32, #tpu.memory_space<vmem>>
    %dma_wait3A_729 = arith.constant 896 : i32
    %dma_wait3A_730 = tpu.memref_slice %arg5[%dma_wait3A_729] : memref<1536xi32, #tpu.memory_space<vmem>> -> memref<128xi32, #tpu.memory_space<vmem>>
    %dma_wait3A_731 = arith.constant 0 : i32
    %dma_wait3A_732 = tpu.memref_slice %arg2[%dma_wait3A_731] : memref<589824xf32, #tpu.memory_space<hbm>> -> memref<589824xf32, #tpu.memory_space<hbm>>
    tpu.wait_indirect_dma semaphore(%arg8 : memref<!tpu.dma_semaphore, #tpu.memory_space<semaphore_mem>>) src(%dma_wait3A_732 : memref<589824xf32, #tpu.memory_space<hbm>>) dst(%dma_wait3A_728 : memref<128xf32, #tpu.memory_space<vmem>>)
    %get3A_733 = arith.constant 896 : index
    %get3A_734 = tpu.vector_load %arg6[%get3A_733] {strides = array<i32>} : memref<1536xf32, #tpu.memory_space<vmem>>, vector<16xf32>,
    %exp3A_735 = math.exp %get3A_734 : vector<16xf32>
    %add3A_736 = arith.constant 1.000000e+00 : f32
    %add3A_737 = vector.broadcast %add3A_736 : f32 to vector<16xf32>
    %add3A_738 = arith.addf %add3A_737, %exp3A_735 : vector<16xf32>
    %div3A_739 = arith.constant 1.000000e+00 : f32
    %div3A_740 = vector.broadcast %div3A_739 : f32 to vector<16xf32>
    %div3A_741 = arith.divf %div3A_740, %add3A_738 : vector<16xf32>
    %swap3A_742 = arith.constant 896 : index
    %swap3A_743 = tpu.vector_load %arg7[%swap3A_742] {strides = array<i32>} : memref<1536xf32, #tpu.memory_space<vmem>>, vector<16xf32>,
    tpu.vector_store %arg7[%swap3A_742], %div3A_741 {strides = array<i32>} : memref<1536xf32, #tpu.memory_space<vmem>>, vector<16xf32>,
    %get3A_744 = arith.constant 912 : index
    %get3A_745 = tpu.vector_load %arg6[%get3A_744] {strides = array<i32>} : memref<1536xf32, #tpu.memory_space<vmem>>, vector<16xf32>,
    %exp3A_746 = math.exp %get3A_745 : vector<16xf32>
    %add3A_747 = arith.constant 1.000000e+00 : f32
    %add3A_748 = vector.broadcast %add3A_747 : f32 to vector<16xf32>
    %add3A_749 = arith.addf %add3A_748, %exp3A_746 : vector<16xf32>
    %div3A_750 = arith.constant 1.000000e+00 : f32
    %div3A_751 = vector.broadcast %div3A_750 : f32 to vector<16xf32>
    %div3A_752 = arith.divf %div3A_751, %add3A_749 : vector<16xf32>
    %swap3A_753 = arith.constant 912 : index
    %swap3A_754 = tpu.vector_load %arg7[%swap3A_753] {strides = array<i32>} : memref<1536xf32, #tpu.memory_space<vmem>>, vector<16xf32>,
    tpu.vector_store %arg7[%swap3A_753], %div3A_752 {strides = array<i32>} : memref<1536xf32, #tpu.memory_space<vmem>>, vector<16xf32>,
    %get3A_755 = arith.constant 928 : index
    %get3A_756 = tpu.vector_load %arg6[%get3A_755] {strides = array<i32>} : memref<1536xf32, #tpu.memory_space<vmem>>, vector<16xf32>,
    %exp3A_757 = math.exp %get3A_756 : vector<16xf32>
    %add3A_758 = arith.constant 1.000000e+00 : f32
    %add3A_759 = vector.broadcast %add3A_758 : f32 to vector<16xf32>
    %add3A_760 = arith.addf %add3A_759, %exp3A_757 : vector<16xf32>
    %div3A_761 = arith.constant 1.000000e+00 : f32
    %div3A_762 = vector.broadcast %div3A_761 : f32 to vector<16xf32>
    %div3A_763 = arith.divf %div3A_762, %add3A_760 : vector<16xf32>
    %swap3A_764 = arith.constant 928 : index
    %swap3A_765 = tpu.vector_load %arg7[%swap3A_764] {strides = array<i32>} : memref<1536xf32, #tpu.memory_space<vmem>>, vector<16xf32>,
    tpu.vector_store %arg7[%swap3A_764], %div3A_763 {strides = array<i32>} : memref<1536xf32, #tpu.memory_space<vmem>>, vector<16xf32>,
    %get3A_766 = arith.constant 944 : index
    %get3A_767 = tpu.vector_load %arg6[%get3A_766] {strides = array<i32>} : memref<1536xf32, #tpu.memory_space<vmem>>, vector<16xf32>,
    %exp3A_768 = math.exp %get3A_767 : vector<16xf32>
    %add3A_769 = arith.constant 1.000000e+00 : f32
    %add3A_770 = vector.broadcast %add3A_769 : f32 to vector<16xf32>
    %add3A_771 = arith.addf %add3A_770, %exp3A_768 : vector<16xf32>
    %div3A_772 = arith.constant 1.000000e+00 : f32
    %div3A_773 = vector.broadcast %div3A_772 : f32 to vector<16xf32>
    %div3A_774 = arith.divf %div3A_773, %add3A_771 : vector<16xf32>
    %swap3A_775 = arith.constant 944 : index
    %swap3A_776 = tpu.vector_load %arg7[%swap3A_775] {strides = array<i32>} : memref<1536xf32, #tpu.memory_space<vmem>>, vector<16xf32>,
    tpu.vector_store %arg7[%swap3A_775], %div3A_774 {strides = array<i32>} : memref<1536xf32, #tpu.memory_space<vmem>>, vector<16xf32>,
    %get3A_777 = arith.constant 960 : index
    %get3A_778 = tpu.vector_load %arg6[%get3A_777] {strides = array<i32>} : memref<1536xf32, #tpu.memory_space<vmem>>, vector<16xf32>,
    %exp3A_779 = math.exp %get3A_778 : vector<16xf32>
    %add3A_780 = arith.constant 1.000000e+00 : f32
    %add3A_781 = vector.broadcast %add3A_780 : f32 to vector<16xf32>
    %add3A_782 = arith.addf %add3A_781, %exp3A_779 : vector<16xf32>
    %div3A_783 = arith.constant 1.000000e+00 : f32
    %div3A_784 = vector.broadcast %div3A_783 : f32 to vector<16xf32>
    %div3A_785 = arith.divf %div3A_784, %add3A_782 : vector<16xf32>
    %swap3A_786 = arith.constant 960 : index
    %swap3A_787 = tpu.vector_load %arg7[%swap3A_786] {strides = array<i32>} : memref<1536xf32, #tpu.memory_space<vmem>>, vector<16xf32>,
    tpu.vector_store %arg7[%swap3A_786], %div3A_785 {strides = array<i32>} : memref<1536xf32, #tpu.memory_space<vmem>>, vector<16xf32>,
    %get3A_788 = arith.constant 976 : index
    %get3A_789 = tpu.vector_load %arg6[%get3A_788] {strides = array<i32>} : memref<1536xf32, #tpu.memory_space<vmem>>, vector<16xf32>,
    %exp3A_790 = math.exp %get3A_789 : vector<16xf32>
    %add3A_791 = arith.constant 1.000000e+00 : f32
    %add3A_792 = vector.broadcast %add3A_791 : f32 to vector<16xf32>
    %add3A_793 = arith.addf %add3A_792, %exp3A_790 : vector<16xf32>
    %div3A_794 = arith.constant 1.000000e+00 : f32
    %div3A_795 = vector.broadcast %div3A_794 : f32 to vector<16xf32>
    %div3A_796 = arith.divf %div3A_795, %add3A_793 : vector<16xf32>
    %swap3A_797 = arith.constant 976 : index
    %swap3A_798 = tpu.vector_load %arg7[%swap3A_797] {strides = array<i32>} : memref<1536xf32, #tpu.memory_space<vmem>>, vector<16xf32>,
    tpu.vector_store %arg7[%swap3A_797], %div3A_796 {strides = array<i32>} : memref<1536xf32, #tpu.memory_space<vmem>>, vector<16xf32>,
    %get3A_799 = arith.constant 992 : index
    %get3A_800 = tpu.vector_load %arg6[%get3A_799] {strides = array<i32>} : memref<1536xf32, #tpu.memory_space<vmem>>, vector<16xf32>,
    %exp3A_801 = math.exp %get3A_800 : vector<16xf32>
    %add3A_802 = arith.constant 1.000000e+00 : f32
    %add3A_803 = vector.broadcast %add3A_802 : f32 to vector<16xf32>
    %add3A_804 = arith.addf %add3A_803, %exp3A_801 : vector<16xf32>
    %div3A_805 = arith.constant 1.000000e+00 : f32
    %div3A_806 = vector.broadcast %div3A_805 : f32 to vector<16xf32>
    %div3A_807 = arith.divf %div3A_806, %add3A_804 : vector<16xf32>
    %swap3A_808 = arith.constant 992 : index
    %swap3A_809 = tpu.vector_load %arg7[%swap3A_808] {strides = array<i32>} : memref<1536xf32, #tpu.memory_space<vmem>>, vector<16xf32>,
    tpu.vector_store %arg7[%swap3A_808], %div3A_807 {strides = array<i32>} : memref<1536xf32, #tpu.memory_space<vmem>>, vector<16xf32>,
    %get3A_810 = arith.constant 1008 : index
    %get3A_811 = tpu.vector_load %arg6[%get3A_810] {strides = array<i32>} : memref<1536xf32, #tpu.memory_space<vmem>>, vector<16xf32>,
    %exp3A_812 = math.exp %get3A_811 : vector<16xf32>
    %add3A_813 = arith.constant 1.000000e+00 : f32
    %add3A_814 = vector.broadcast %add3A_813 : f32 to vector<16xf32>
    %add3A_815 = arith.addf %add3A_814, %exp3A_812 : vector<16xf32>
    %div3A_816 = arith.constant 1.000000e+00 : f32
    %div3A_817 = vector.broadcast %div3A_816 : f32 to vector<16xf32>
    %div3A_818 = arith.divf %div3A_817, %add3A_815 : vector<16xf32>
    %swap3A_819 = arith.constant 1008 : index
    %swap3A_820 = tpu.vector_load %arg7[%swap3A_819] {strides = array<i32>} : memref<1536xf32, #tpu.memory_space<vmem>>, vector<16xf32>,
    tpu.vector_store %arg7[%swap3A_819], %div3A_818 {strides = array<i32>} : memref<1536xf32, #tpu.memory_space<vmem>>, vector<16xf32>,
    %dma_wait3A_821 = arith.constant 1024 : i32
    %dma_wait3A_822 = tpu.memref_slice %arg6[%dma_wait3A_821] : memref<1536xf32, #tpu.memory_space<vmem>> -> memref<128xf32, #tpu.memory_space<vmem>>
    %dma_wait3A_823 = arith.constant 1024 : i32
    %dma_wait3A_824 = tpu.memref_slice %arg5[%dma_wait3A_823] : memref<1536xi32, #tpu.memory_space<vmem>> -> memref<128xi32, #tpu.memory_space<vmem>>
    %dma_wait3A_825 = arith.constant 0 : i32
    %dma_wait3A_826 = tpu.memref_slice %arg2[%dma_wait3A_825] : memref<589824xf32, #tpu.memory_space<hbm>> -> memref<589824xf32, #tpu.memory_space<hbm>>
    tpu.wait_indirect_dma semaphore(%arg8 : memref<!tpu.dma_semaphore, #tpu.memory_space<semaphore_mem>>) src(%dma_wait3A_826 : memref<589824xf32, #tpu.memory_space<hbm>>) dst(%dma_wait3A_822 : memref<128xf32, #tpu.memory_space<vmem>>)
    %get3A_827 = arith.constant 1024 : index
    %get3A_828 = tpu.vector_load %arg6[%get3A_827] {strides = array<i32>} : memref<1536xf32, #tpu.memory_space<vmem>>, vector<16xf32>,
    %exp3A_829 = math.exp %get3A_828 : vector<16xf32>
    %add3A_830 = arith.constant 1.000000e+00 : f32
    %add3A_831 = vector.broadcast %add3A_830 : f32 to vector<16xf32>
    %add3A_832 = arith.addf %add3A_831, %exp3A_829 : vector<16xf32>
    %div3A_833 = arith.constant 1.000000e+00 : f32
    %div3A_834 = vector.broadcast %div3A_833 : f32 to vector<16xf32>
    %div3A_835 = arith.divf %div3A_834, %add3A_832 : vector<16xf32>
    %swap3A_836 = arith.constant 1024 : index
    %swap3A_837 = tpu.vector_load %arg7[%swap3A_836] {strides = array<i32>} : memref<1536xf32, #tpu.memory_space<vmem>>, vector<16xf32>,
    tpu.vector_store %arg7[%swap3A_836], %div3A_835 {strides = array<i32>} : memref<1536xf32, #tpu.memory_space<vmem>>, vector<16xf32>,
    %get3A_838 = arith.constant 1040 : index
    %get3A_839 = tpu.vector_load %arg6[%get3A_838] {strides = array<i32>} : memref<1536xf32, #tpu.memory_space<vmem>>, vector<16xf32>,
    %exp3A_840 = math.exp %get3A_839 : vector<16xf32>
    %add3A_841 = arith.constant 1.000000e+00 : f32
    %add3A_842 = vector.broadcast %add3A_841 : f32 to vector<16xf32>
    %add3A_843 = arith.addf %add3A_842, %exp3A_840 : vector<16xf32>
    %div3A_844 = arith.constant 1.000000e+00 : f32
    %div3A_845 = vector.broadcast %div3A_844 : f32 to vector<16xf32>
    %div3A_846 = arith.divf %div3A_845, %add3A_843 : vector<16xf32>
    %swap3A_847 = arith.constant 1040 : index
    %swap3A_848 = tpu.vector_load %arg7[%swap3A_847] {strides = array<i32>} : memref<1536xf32, #tpu.memory_space<vmem>>, vector<16xf32>,
    tpu.vector_store %arg7[%swap3A_847], %div3A_846 {strides = array<i32>} : memref<1536xf32, #tpu.memory_space<vmem>>, vector<16xf32>,
    %get3A_849 = arith.constant 1056 : index
    %get3A_850 = tpu.vector_load %arg6[%get3A_849] {strides = array<i32>} : memref<1536xf32, #tpu.memory_space<vmem>>, vector<16xf32>,
    %exp3A_851 = math.exp %get3A_850 : vector<16xf32>
    %add3A_852 = arith.constant 1.000000e+00 : f32
    %add3A_853 = vector.broadcast %add3A_852 : f32 to vector<16xf32>
    %add3A_854 = arith.addf %add3A_853, %exp3A_851 : vector<16xf32>
    %div3A_855 = arith.constant 1.000000e+00 : f32
    %div3A_856 = vector.broadcast %div3A_855 : f32 to vector<16xf32>
    %div3A_857 = arith.divf %div3A_856, %add3A_854 : vector<16xf32>
    %swap3A_858 = arith.constant 1056 : index
    %swap3A_859 = tpu.vector_load %arg7[%swap3A_858] {strides = array<i32>} : memref<1536xf32, #tpu.memory_space<vmem>>, vector<16xf32>,
    tpu.vector_store %arg7[%swap3A_858], %div3A_857 {strides = array<i32>} : memref<1536xf32, #tpu.memory_space<vmem>>, vector<16xf32>,
    %get3A_860 = arith.constant 1072 : index
    %get3A_861 = tpu.vector_load %arg6[%get3A_860] {strides = array<i32>} : memref<1536xf32, #tpu.memory_space<vmem>>, vector<16xf32>,
    %exp3A_862 = math.exp %get3A_861 : vector<16xf32>
    %add3A_863 = arith.constant 1.000000e+00 : f32
    %add3A_864 = vector.broadcast %add3A_863 : f32 to vector<16xf32>
    %add3A_865 = arith.addf %add3A_864, %exp3A_862 : vector<16xf32>
    %div3A_866 = arith.constant 1.000000e+00 : f32
    %div3A_867 = vector.broadcast %div3A_866 : f32 to vector<16xf32>
    %div3A_868 = arith.divf %div3A_867, %add3A_865 : vector<16xf32>
    %swap3A_869 = arith.constant 1072 : index
    %swap3A_870 = tpu.vector_load %arg7[%swap3A_869] {strides = array<i32>} : memref<1536xf32, #tpu.memory_space<vmem>>, vector<16xf32>,
    tpu.vector_store %arg7[%swap3A_869], %div3A_868 {strides = array<i32>} : memref<1536xf32, #tpu.memory_space<vmem>>, vector<16xf32>,
    %get3A_871 = arith.constant 1088 : index
    %get3A_872 = tpu.vector_load %arg6[%get3A_871] {strides = array<i32>} : memref<1536xf32, #tpu.memory_space<vmem>>, vector<16xf32>,
    %exp3A_873 = math.exp %get3A_872 : vector<16xf32>
    %add3A_874 = arith.constant 1.000000e+00 : f32
    %add3A_875 = vector.broadcast %add3A_874 : f32 to vector<16xf32>
    %add3A_876 = arith.addf %add3A_875, %exp3A_873 : vector<16xf32>
    %div3A_877 = arith.constant 1.000000e+00 : f32
    %div3A_878 = vector.broadcast %div3A_877 : f32 to vector<16xf32>
    %div3A_879 = arith.divf %div3A_878, %add3A_876 : vector<16xf32>
    %swap3A_880 = arith.constant 1088 : index
    %swap3A_881 = tpu.vector_load %arg7[%swap3A_880] {strides = array<i32>} : memref<1536xf32, #tpu.memory_space<vmem>>, vector<16xf32>,
    tpu.vector_store %arg7[%swap3A_880], %div3A_879 {strides = array<i32>} : memref<1536xf32, #tpu.memory_space<vmem>>, vector<16xf32>,
    %get3A_882 = arith.constant 1104 : index
    %get3A_883 = tpu.vector_load %arg6[%get3A_882] {strides = array<i32>} : memref<1536xf32, #tpu.memory_space<vmem>>, vector<16xf32>,
    %exp3A_884 = math.exp %get3A_883 : vector<16xf32>
    %add3A_885 = arith.constant 1.000000e+00 : f32
    %add3A_886 = vector.broadcast %add3A_885 : f32 to vector<16xf32>
    %add3A_887 = arith.addf %add3A_886, %exp3A_884 : vector<16xf32>
    %div3A_888 = arith.constant 1.000000e+00 : f32
    %div3A_889 = vector.broadcast %div3A_888 : f32 to vector<16xf32>
    %div3A_890 = arith.divf %div3A_889, %add3A_887 : vector<16xf32>
    %swap3A_891 = arith.constant 1104 : index
    %swap3A_892 = tpu.vector_load %arg7[%swap3A_891] {strides = array<i32>} : memref<1536xf32, #tpu.memory_space<vmem>>, vector<16xf32>,
    tpu.vector_store %arg7[%swap3A_891], %div3A_890 {strides = array<i32>} : memref<1536xf32, #tpu.memory_space<vmem>>, vector<16xf32>,
    %get3A_893 = arith.constant 1120 : index
    %get3A_894 = tpu.vector_load %arg6[%get3A_893] {strides = array<i32>} : memref<1536xf32, #tpu.memory_space<vmem>>, vector<16xf32>,
    %exp3A_895 = math.exp %get3A_894 : vector<16xf32>
    %add3A_896 = arith.constant 1.000000e+00 : f32
    %add3A_897 = vector.broadcast %add3A_896 : f32 to vector<16xf32>
    %add3A_898 = arith.addf %add3A_897, %exp3A_895 : vector<16xf32>
    %div3A_899 = arith.constant 1.000000e+00 : f32
    %div3A_900 = vector.broadcast %div3A_899 : f32 to vector<16xf32>
    %div3A_901 = arith.divf %div3A_900, %add3A_898 : vector<16xf32>
    %swap3A_902 = arith.constant 1120 : index
    %swap3A_903 = tpu.vector_load %arg7[%swap3A_902] {strides = array<i32>} : memref<1536xf32, #tpu.memory_space<vmem>>, vector<16xf32>,
    tpu.vector_store %arg7[%swap3A_902], %div3A_901 {strides = array<i32>} : memref<1536xf32, #tpu.memory_space<vmem>>, vector<16xf32>,
    %get3A_904 = arith.constant 1136 : index
    %get3A_905 = tpu.vector_load %arg6[%get3A_904] {strides = array<i32>} : memref<1536xf32, #tpu.memory_space<vmem>>, vector<16xf32>,
    %exp3A_906 = math.exp %get3A_905 : vector<16xf32>
    %add3A_907 = arith.constant 1.000000e+00 : f32
    %add3A_908 = vector.broadcast %add3A_907 : f32 to vector<16xf32>
    %add3A_909 = arith.addf %add3A_908, %exp3A_906 : vector<16xf32>
    %div3A_910 = arith.constant 1.000000e+00 : f32
    %div3A_911 = vector.broadcast %div3A_910 : f32 to vector<16xf32>
    %div3A_912 = arith.divf %div3A_911, %add3A_909 : vector<16xf32>
    %swap3A_913 = arith.constant 1136 : index
    %swap3A_914 = tpu.vector_load %arg7[%swap3A_913] {strides = array<i32>} : memref<1536xf32, #tpu.memory_space<vmem>>, vector<16xf32>,
    tpu.vector_store %arg7[%swap3A_913], %div3A_912 {strides = array<i32>} : memref<1536xf32, #tpu.memory_space<vmem>>, vector<16xf32>,
    %dma_wait3A_915 = arith.constant 1152 : i32
    %dma_wait3A_916 = tpu.memref_slice %arg6[%dma_wait3A_915] : memref<1536xf32, #tpu.memory_space<vmem>> -> memref<128xf32, #tpu.memory_space<vmem>>
    %dma_wait3A_917 = arith.constant 1152 : i32
    %dma_wait3A_918 = tpu.memref_slice %arg5[%dma_wait3A_917] : memref<1536xi32, #tpu.memory_space<vmem>> -> memref<128xi32, #tpu.memory_space<vmem>>
    %dma_wait3A_919 = arith.constant 0 : i32
    %dma_wait3A_920 = tpu.memref_slice %arg2[%dma_wait3A_919] : memref<589824xf32, #tpu.memory_space<hbm>> -> memref<589824xf32, #tpu.memory_space<hbm>>
    tpu.wait_indirect_dma semaphore(%arg8 : memref<!tpu.dma_semaphore, #tpu.memory_space<semaphore_mem>>) src(%dma_wait3A_920 : memref<589824xf32, #tpu.memory_space<hbm>>) dst(%dma_wait3A_916 : memref<128xf32, #tpu.memory_space<vmem>>)
    %get3A_921 = arith.constant 1152 : index
    %get3A_922 = tpu.vector_load %arg6[%get3A_921] {strides = array<i32>} : memref<1536xf32, #tpu.memory_space<vmem>>, vector<16xf32>,
    %exp3A_923 = math.exp %get3A_922 : vector<16xf32>
    %add3A_924 = arith.constant 1.000000e+00 : f32
    %add3A_925 = vector.broadcast %add3A_924 : f32 to vector<16xf32>
    %add3A_926 = arith.addf %add3A_925, %exp3A_923 : vector<16xf32>
    %div3A_927 = arith.constant 1.000000e+00 : f32
    %div3A_928 = vector.broadcast %div3A_927 : f32 to vector<16xf32>
    %div3A_929 = arith.divf %div3A_928, %add3A_926 : vector<16xf32>
    %swap3A_930 = arith.constant 1152 : index
    %swap3A_931 = tpu.vector_load %arg7[%swap3A_930] {strides = array<i32>} : memref<1536xf32, #tpu.memory_space<vmem>>, vector<16xf32>,
    tpu.vector_store %arg7[%swap3A_930], %div3A_929 {strides = array<i32>} : memref<1536xf32, #tpu.memory_space<vmem>>, vector<16xf32>,
    %get3A_932 = arith.constant 1168 : index
    %get3A_933 = tpu.vector_load %arg6[%get3A_932] {strides = array<i32>} : memref<1536xf32, #tpu.memory_space<vmem>>, vector<16xf32>,
    %exp3A_934 = math.exp %get3A_933 : vector<16xf32>
    %add3A_935 = arith.constant 1.000000e+00 : f32
    %add3A_936 = vector.broadcast %add3A_935 : f32 to vector<16xf32>
    %add3A_937 = arith.addf %add3A_936, %exp3A_934 : vector<16xf32>
    %div3A_938 = arith.constant 1.000000e+00 : f32
    %div3A_939 = vector.broadcast %div3A_938 : f32 to vector<16xf32>
    %div3A_940 = arith.divf %div3A_939, %add3A_937 : vector<16xf32>
    %swap3A_941 = arith.constant 1168 : index
    %swap3A_942 = tpu.vector_load %arg7[%swap3A_941] {strides = array<i32>} : memref<1536xf32, #tpu.memory_space<vmem>>, vector<16xf32>,
    tpu.vector_store %arg7[%swap3A_941], %div3A_940 {strides = array<i32>} : memref<1536xf32, #tpu.memory_space<vmem>>, vector<16xf32>,
    %get3A_943 = arith.constant 1184 : index
    %get3A_944 = tpu.vector_load %arg6[%get3A_943] {strides = array<i32>} : memref<1536xf32, #tpu.memory_space<vmem>>, vector<16xf32>,
    %exp3A_945 = math.exp %get3A_944 : vector<16xf32>
    %add3A_946 = arith.constant 1.000000e+00 : f32
    %add3A_947 = vector.broadcast %add3A_946 : f32 to vector<16xf32>
    %add3A_948 = arith.addf %add3A_947, %exp3A_945 : vector<16xf32>
    %div3A_949 = arith.constant 1.000000e+00 : f32
    %div3A_950 = vector.broadcast %div3A_949 : f32 to vector<16xf32>
    %div3A_951 = arith.divf %div3A_950, %add3A_948 : vector<16xf32>
    %swap3A_952 = arith.constant 1184 : index
    %swap3A_953 = tpu.vector_load %arg7[%swap3A_952] {strides = array<i32>} : memref<1536xf32, #tpu.memory_space<vmem>>, vector<16xf32>,
    tpu.vector_store %arg7[%swap3A_952], %div3A_951 {strides = array<i32>} : memref<1536xf32, #tpu.memory_space<vmem>>, vector<16xf32>,
    %get3A_954 = arith.constant 1200 : index
    %get3A_955 = tpu.vector_load %arg6[%get3A_954] {strides = array<i32>} : memref<1536xf32, #tpu.memory_space<vmem>>, vector<16xf32>,
    %exp3A_956 = math.exp %get3A_955 : vector<16xf32>
    %add3A_957 = arith.constant 1.000000e+00 : f32
    %add3A_958 = vector.broadcast %add3A_957 : f32 to vector<16xf32>
    %add3A_959 = arith.addf %add3A_958, %exp3A_956 : vector<16xf32>
    %div3A_960 = arith.constant 1.000000e+00 : f32
    %div3A_961 = vector.broadcast %div3A_960 : f32 to vector<16xf32>
    %div3A_962 = arith.divf %div3A_961, %add3A_959 : vector<16xf32>
    %swap3A_963 = arith.constant 1200 : index
    %swap3A_964 = tpu.vector_load %arg7[%swap3A_963] {strides = array<i32>} : memref<1536xf32, #tpu.memory_space<vmem>>, vector<16xf32>,
    tpu.vector_store %arg7[%swap3A_963], %div3A_962 {strides = array<i32>} : memref<1536xf32, #tpu.memory_space<vmem>>, vector<16xf32>,
    %get3A_965 = arith.constant 1216 : index
    %get3A_966 = tpu.vector_load %arg6[%get3A_965] {strides = array<i32>} : memref<1536xf32, #tpu.memory_space<vmem>>, vector<16xf32>,
    %exp3A_967 = math.exp %get3A_966 : vector<16xf32>
    %add3A_968 = arith.constant 1.000000e+00 : f32
    %add3A_969 = vector.broadcast %add3A_968 : f32 to vector<16xf32>
    %add3A_970 = arith.addf %add3A_969, %exp3A_967 : vector<16xf32>
    %div3A_971 = arith.constant 1.000000e+00 : f32
    %div3A_972 = vector.broadcast %div3A_971 : f32 to vector<16xf32>
    %div3A_973 = arith.divf %div3A_972, %add3A_970 : vector<16xf32>
    %swap3A_974 = arith.constant 1216 : index
    %swap3A_975 = tpu.vector_load %arg7[%swap3A_974] {strides = array<i32>} : memref<1536xf32, #tpu.memory_space<vmem>>, vector<16xf32>,
    tpu.vector_store %arg7[%swap3A_974], %div3A_973 {strides = array<i32>} : memref<1536xf32, #tpu.memory_space<vmem>>, vector<16xf32>,
    %get3A_976 = arith.constant 1232 : index
    %get3A_977 = tpu.vector_load %arg6[%get3A_976] {strides = array<i32>} : memref<1536xf32, #tpu.memory_space<vmem>>, vector<16xf32>,
    %exp3A_978 = math.exp %get3A_977 : vector<16xf32>
    %add3A_979 = arith.constant 1.000000e+00 : f32
    %add3A_980 = vector.broadcast %add3A_979 : f32 to vector<16xf32>
    %add3A_981 = arith.addf %add3A_980, %exp3A_978 : vector<16xf32>
    %div3A_982 = arith.constant 1.000000e+00 : f32
    %div3A_983 = vector.broadcast %div3A_982 : f32 to vector<16xf32>
    %div3A_984 = arith.divf %div3A_983, %add3A_981 : vector<16xf32>
    %swap3A_985 = arith.constant 1232 : index
    %swap3A_986 = tpu.vector_load %arg7[%swap3A_985] {strides = array<i32>} : memref<1536xf32, #tpu.memory_space<vmem>>, vector<16xf32>,
    tpu.vector_store %arg7[%swap3A_985], %div3A_984 {strides = array<i32>} : memref<1536xf32, #tpu.memory_space<vmem>>, vector<16xf32>,
    %get3A_987 = arith.constant 1248 : index
    %get3A_988 = tpu.vector_load %arg6[%get3A_987] {strides = array<i32>} : memref<1536xf32, #tpu.memory_space<vmem>>, vector<16xf32>,
    %exp3A_989 = math.exp %get3A_988 : vector<16xf32>
    %add3A_990 = arith.constant 1.000000e+00 : f32
    %add3A_991 = vector.broadcast %add3A_990 : f32 to vector<16xf32>
    %add3A_992 = arith.addf %add3A_991, %exp3A_989 : vector<16xf32>
    %div3A_993 = arith.constant 1.000000e+00 : f32
    %div3A_994 = vector.broadcast %div3A_993 : f32 to vector<16xf32>
    %div3A_995 = arith.divf %div3A_994, %add3A_992 : vector<16xf32>
    %swap3A_996 = arith.constant 1248 : index
    %swap3A_997 = tpu.vector_load %arg7[%swap3A_996] {strides = array<i32>} : memref<1536xf32, #tpu.memory_space<vmem>>, vector<16xf32>,
    tpu.vector_store %arg7[%swap3A_996], %div3A_995 {strides = array<i32>} : memref<1536xf32, #tpu.memory_space<vmem>>, vector<16xf32>,
    %get3A_998 = arith.constant 1264 : index
    %get3A_999 = tpu.vector_load %arg6[%get3A_998] {strides = array<i32>} : memref<1536xf32, #tpu.memory_space<vmem>>, vector<16xf32>,
    %exp3A_1000 = math.exp %get3A_999 : vector<16xf32>
    %add3A_1001 = arith.constant 1.000000e+00 : f32
    %add3A_1002 = vector.broadcast %add3A_1001 : f32 to vector<16xf32>
    %add3A_1003 = arith.addf %add3A_1002, %exp3A_1000 : vector<16xf32>
    %div3A_1004 = arith.constant 1.000000e+00 : f32
    %div3A_1005 = vector.broadcast %div3A_1004 : f32 to vector<16xf32>
    %div3A_1006 = arith.divf %div3A_1005, %add3A_1003 : vector<16xf32>
    %swap3A_1007 = arith.constant 1264 : index
    %swap3A_1008 = tpu.vector_load %arg7[%swap3A_1007] {strides = array<i32>} : memref<1536xf32, #tpu.memory_space<vmem>>, vector<16xf32>,
    tpu.vector_store %arg7[%swap3A_1007], %div3A_1006 {strides = array<i32>} : memref<1536xf32, #tpu.memory_space<vmem>>, vector<16xf32>,
    %dma_wait3A_1009 = arith.constant 1280 : i32
    %dma_wait3A_1010 = tpu.memref_slice %arg6[%dma_wait3A_1009] : memref<1536xf32, #tpu.memory_space<vmem>> -> memref<128xf32, #tpu.memory_space<vmem>>
    %dma_wait3A_1011 = arith.constant 1280 : i32
    %dma_wait3A_1012 = tpu.memref_slice %arg5[%dma_wait3A_1011] : memref<1536xi32, #tpu.memory_space<vmem>> -> memref<128xi32, #tpu.memory_space<vmem>>
    %dma_wait3A_1013 = arith.constant 0 : i32
    %dma_wait3A_1014 = tpu.memref_slice %arg2[%dma_wait3A_1013] : memref<589824xf32, #tpu.memory_space<hbm>> -> memref<589824xf32, #tpu.memory_space<hbm>>
    tpu.wait_indirect_dma semaphore(%arg8 : memref<!tpu.dma_semaphore, #tpu.memory_space<semaphore_mem>>) src(%dma_wait3A_1014 : memref<589824xf32, #tpu.memory_space<hbm>>) dst(%dma_wait3A_1010 : memref<128xf32, #tpu.memory_space<vmem>>)
    %get3A_1015 = arith.constant 1280 : index
    %get3A_1016 = tpu.vector_load %arg6[%get3A_1015] {strides = array<i32>} : memref<1536xf32, #tpu.memory_space<vmem>>, vector<16xf32>,
    %exp3A_1017 = math.exp %get3A_1016 : vector<16xf32>
    %add3A_1018 = arith.constant 1.000000e+00 : f32
    %add3A_1019 = vector.broadcast %add3A_1018 : f32 to vector<16xf32>
    %add3A_1020 = arith.addf %add3A_1019, %exp3A_1017 : vector<16xf32>
    %div3A_1021 = arith.constant 1.000000e+00 : f32
    %div3A_1022 = vector.broadcast %div3A_1021 : f32 to vector<16xf32>
    %div3A_1023 = arith.divf %div3A_1022, %add3A_1020 : vector<16xf32>
    %swap3A_1024 = arith.constant 1280 : index
    %swap3A_1025 = tpu.vector_load %arg7[%swap3A_1024] {strides = array<i32>} : memref<1536xf32, #tpu.memory_space<vmem>>, vector<16xf32>,
    tpu.vector_store %arg7[%swap3A_1024], %div3A_1023 {strides = array<i32>} : memref<1536xf32, #tpu.memory_space<vmem>>, vector<16xf32>,
    %get3A_1026 = arith.constant 1296 : index
    %get3A_1027 = tpu.vector_load %arg6[%get3A_1026] {strides = array<i32>} : memref<1536xf32, #tpu.memory_space<vmem>>, vector<16xf32>,
    %exp3A_1028 = math.exp %get3A_1027 : vector<16xf32>
    %add3A_1029 = arith.constant 1.000000e+00 : f32
    %add3A_1030 = vector.broadcast %add3A_1029 : f32 to vector<16xf32>
    %add3A_1031 = arith.addf %add3A_1030, %exp3A_1028 : vector<16xf32>
    %div3A_1032 = arith.constant 1.000000e+00 : f32
    %div3A_1033 = vector.broadcast %div3A_1032 : f32 to vector<16xf32>
    %div3A_1034 = arith.divf %div3A_1033, %add3A_1031 : vector<16xf32>
    %swap3A_1035 = arith.constant 1296 : index
    %swap3A_1036 = tpu.vector_load %arg7[%swap3A_1035] {strides = array<i32>} : memref<1536xf32, #tpu.memory_space<vmem>>, vector<16xf32>,
    tpu.vector_store %arg7[%swap3A_1035], %div3A_1034 {strides = array<i32>} : memref<1536xf32, #tpu.memory_space<vmem>>, vector<16xf32>,
    %get3A_1037 = arith.constant 1312 : index
    %get3A_1038 = tpu.vector_load %arg6[%get3A_1037] {strides = array<i32>} : memref<1536xf32, #tpu.memory_space<vmem>>, vector<16xf32>,
    %exp3A_1039 = math.exp %get3A_1038 : vector<16xf32>
    %add3A_1040 = arith.constant 1.000000e+00 : f32
    %add3A_1041 = vector.broadcast %add3A_1040 : f32 to vector<16xf32>
    %add3A_1042 = arith.addf %add3A_1041, %exp3A_1039 : vector<16xf32>
    %div3A_1043 = arith.constant 1.000000e+00 : f32
    %div3A_1044 = vector.broadcast %div3A_1043 : f32 to vector<16xf32>
    %div3A_1045 = arith.divf %div3A_1044, %add3A_1042 : vector<16xf32>
    %swap3A_1046 = arith.constant 1312 : index
    %swap3A_1047 = tpu.vector_load %arg7[%swap3A_1046] {strides = array<i32>} : memref<1536xf32, #tpu.memory_space<vmem>>, vector<16xf32>,
    tpu.vector_store %arg7[%swap3A_1046], %div3A_1045 {strides = array<i32>} : memref<1536xf32, #tpu.memory_space<vmem>>, vector<16xf32>,
    %get3A_1048 = arith.constant 1328 : index
    %get3A_1049 = tpu.vector_load %arg6[%get3A_1048] {strides = array<i32>} : memref<1536xf32, #tpu.memory_space<vmem>>, vector<16xf32>,
    %exp3A_1050 = math.exp %get3A_1049 : vector<16xf32>
    %add3A_1051 = arith.constant 1.000000e+00 : f32
    %add3A_1052 = vector.broadcast %add3A_1051 : f32 to vector<16xf32>
    %add3A_1053 = arith.addf %add3A_1052, %exp3A_1050 : vector<16xf32>
    %div3A_1054 = arith.constant 1.000000e+00 : f32
    %div3A_1055 = vector.broadcast %div3A_1054 : f32 to vector<16xf32>
    %div3A_1056 = arith.divf %div3A_1055, %add3A_1053 : vector<16xf32>
    %swap3A_1057 = arith.constant 1328 : index
    %swap3A_1058 = tpu.vector_load %arg7[%swap3A_1057] {strides = array<i32>} : memref<1536xf32, #tpu.memory_space<vmem>>, vector<16xf32>,
    tpu.vector_store %arg7[%swap3A_1057], %div3A_1056 {strides = array<i32>} : memref<1536xf32, #tpu.memory_space<vmem>>, vector<16xf32>,
    %get3A_1059 = arith.constant 1344 : index
    %get3A_1060 = tpu.vector_load %arg6[%get3A_1059] {strides = array<i32>} : memref<1536xf32, #tpu.memory_space<vmem>>, vector<16xf32>,
    %exp3A_1061 = math.exp %get3A_1060 : vector<16xf32>
    %add3A_1062 = arith.constant 1.000000e+00 : f32
    %add3A_1063 = vector.broadcast %add3A_1062 : f32 to vector<16xf32>
    %add3A_1064 = arith.addf %add3A_1063, %exp3A_1061 : vector<16xf32>
    %div3A_1065 = arith.constant 1.000000e+00 : f32
    %div3A_1066 = vector.broadcast %div3A_1065 : f32 to vector<16xf32>
    %div3A_1067 = arith.divf %div3A_1066, %add3A_1064 : vector<16xf32>
    %swap3A_1068 = arith.constant 1344 : index
    %swap3A_1069 = tpu.vector_load %arg7[%swap3A_1068] {strides = array<i32>} : memref<1536xf32, #tpu.memory_space<vmem>>, vector<16xf32>,
    tpu.vector_store %arg7[%swap3A_1068], %div3A_1067 {strides = array<i32>} : memref<1536xf32, #tpu.memory_space<vmem>>, vector<16xf32>,
    %get3A_1070 = arith.constant 1360 : index
    %get3A_1071 = tpu.vector_load %arg6[%get3A_1070] {strides = array<i32>} : memref<1536xf32, #tpu.memory_space<vmem>>, vector<16xf32>,
    %exp3A_1072 = math.exp %get3A_1071 : vector<16xf32>
    %add3A_1073 = arith.constant 1.000000e+00 : f32
    %add3A_1074 = vector.broadcast %add3A_1073 : f32 to vector<16xf32>
    %add3A_1075 = arith.addf %add3A_1074, %exp3A_1072 : vector<16xf32>
    %div3A_1076 = arith.constant 1.000000e+00 : f32
    %div3A_1077 = vector.broadcast %div3A_1076 : f32 to vector<16xf32>
    %div3A_1078 = arith.divf %div3A_1077, %add3A_1075 : vector<16xf32>
    %swap3A_1079 = arith.constant 1360 : index
    %swap3A_1080 = tpu.vector_load %arg7[%swap3A_1079] {strides = array<i32>} : memref<1536xf32, #tpu.memory_space<vmem>>, vector<16xf32>,
    tpu.vector_store %arg7[%swap3A_1079], %div3A_1078 {strides = array<i32>} : memref<1536xf32, #tpu.memory_space<vmem>>, vector<16xf32>,
    %get3A_1081 = arith.constant 1376 : index
    %get3A_1082 = tpu.vector_load %arg6[%get3A_1081] {strides = array<i32>} : memref<1536xf32, #tpu.memory_space<vmem>>, vector<16xf32>,
    %exp3A_1083 = math.exp %get3A_1082 : vector<16xf32>
    %add3A_1084 = arith.constant 1.000000e+00 : f32
    %add3A_1085 = vector.broadcast %add3A_1084 : f32 to vector<16xf32>
    %add3A_1086 = arith.addf %add3A_1085, %exp3A_1083 : vector<16xf32>
    %div3A_1087 = arith.constant 1.000000e+00 : f32
    %div3A_1088 = vector.broadcast %div3A_1087 : f32 to vector<16xf32>
    %div3A_1089 = arith.divf %div3A_1088, %add3A_1086 : vector<16xf32>
    %swap3A_1090 = arith.constant 1376 : index
    %swap3A_1091 = tpu.vector_load %arg7[%swap3A_1090] {strides = array<i32>} : memref<1536xf32, #tpu.memory_space<vmem>>, vector<16xf32>,
    tpu.vector_store %arg7[%swap3A_1090], %div3A_1089 {strides = array<i32>} : memref<1536xf32, #tpu.memory_space<vmem>>, vector<16xf32>,
    %get3A_1092 = arith.constant 1392 : index
    %get3A_1093 = tpu.vector_load %arg6[%get3A_1092] {strides = array<i32>} : memref<1536xf32, #tpu.memory_space<vmem>>, vector<16xf32>,
    %exp3A_1094 = math.exp %get3A_1093 : vector<16xf32>
    %add3A_1095 = arith.constant 1.000000e+00 : f32
    %add3A_1096 = vector.broadcast %add3A_1095 : f32 to vector<16xf32>
    %add3A_1097 = arith.addf %add3A_1096, %exp3A_1094 : vector<16xf32>
    %div3A_1098 = arith.constant 1.000000e+00 : f32
    %div3A_1099 = vector.broadcast %div3A_1098 : f32 to vector<16xf32>
    %div3A_1100 = arith.divf %div3A_1099, %add3A_1097 : vector<16xf32>
    %swap3A_1101 = arith.constant 1392 : index
    %swap3A_1102 = tpu.vector_load %arg7[%swap3A_1101] {strides = array<i32>} : memref<1536xf32, #tpu.memory_space<vmem>>, vector<16xf32>,
    tpu.vector_store %arg7[%swap3A_1101], %div3A_1100 {strides = array<i32>} : memref<1536xf32, #tpu.memory_space<vmem>>, vector<16xf32>,
    %dma_wait3A_1103 = arith.constant 1408 : i32
    %dma_wait3A_1104 = tpu.memref_slice %arg6[%dma_wait3A_1103] : memref<1536xf32, #tpu.memory_space<vmem>> -> memref<128xf32, #tpu.memory_space<vmem>>
    %dma_wait3A_1105 = arith.constant 1408 : i32
    %dma_wait3A_1106 = tpu.memref_slice %arg5[%dma_wait3A_1105] : memref<1536xi32, #tpu.memory_space<vmem>> -> memref<128xi32, #tpu.memory_space<vmem>>
    %dma_wait3A_1107 = arith.constant 0 : i32
    %dma_wait3A_1108 = tpu.memref_slice %arg2[%dma_wait3A_1107] : memref<589824xf32, #tpu.memory_space<hbm>> -> memref<589824xf32, #tpu.memory_space<hbm>>
    tpu.wait_indirect_dma semaphore(%arg8 : memref<!tpu.dma_semaphore, #tpu.memory_space<semaphore_mem>>) src(%dma_wait3A_1108 : memref<589824xf32, #tpu.memory_space<hbm>>) dst(%dma_wait3A_1104 : memref<128xf32, #tpu.memory_space<vmem>>)
    %get3A_1109 = arith.constant 1408 : index
    %get3A_1110 = tpu.vector_load %arg6[%get3A_1109] {strides = array<i32>} : memref<1536xf32, #tpu.memory_space<vmem>>, vector<16xf32>,
    %exp3A_1111 = math.exp %get3A_1110 : vector<16xf32>
    %add3A_1112 = arith.constant 1.000000e+00 : f32
    %add3A_1113 = vector.broadcast %add3A_1112 : f32 to vector<16xf32>
    %add3A_1114 = arith.addf %add3A_1113, %exp3A_1111 : vector<16xf32>
    %div3A_1115 = arith.constant 1.000000e+00 : f32
    %div3A_1116 = vector.broadcast %div3A_1115 : f32 to vector<16xf32>
    %div3A_1117 = arith.divf %div3A_1116, %add3A_1114 : vector<16xf32>
    %swap3A_1118 = arith.constant 1408 : index
    %swap3A_1119 = tpu.vector_load %arg7[%swap3A_1118] {strides = array<i32>} : memref<1536xf32, #tpu.memory_space<vmem>>, vector<16xf32>,
    tpu.vector_store %arg7[%swap3A_1118], %div3A_1117 {strides = array<i32>} : memref<1536xf32, #tpu.memory_space<vmem>>, vector<16xf32>,
    %get3A_1120 = arith.constant 1424 : index
    %get3A_1121 = tpu.vector_load %arg6[%get3A_1120] {strides = array<i32>} : memref<1536xf32, #tpu.memory_space<vmem>>, vector<16xf32>,
    %exp3A_1122 = math.exp %get3A_1121 : vector<16xf32>
    %add3A_1123 = arith.constant 1.000000e+00 : f32
    %add3A_1124 = vector.broadcast %add3A_1123 : f32 to vector<16xf32>
    %add3A_1125 = arith.addf %add3A_1124, %exp3A_1122 : vector<16xf32>
    %div3A_1126 = arith.constant 1.000000e+00 : f32
    %div3A_1127 = vector.broadcast %div3A_1126 : f32 to vector<16xf32>
    %div3A_1128 = arith.divf %div3A_1127, %add3A_1125 : vector<16xf32>
    %swap3A_1129 = arith.constant 1424 : index
    %swap3A_1130 = tpu.vector_load %arg7[%swap3A_1129] {strides = array<i32>} : memref<1536xf32, #tpu.memory_space<vmem>>, vector<16xf32>,
    tpu.vector_store %arg7[%swap3A_1129], %div3A_1128 {strides = array<i32>} : memref<1536xf32, #tpu.memory_space<vmem>>, vector<16xf32>,
    %get3A_1131 = arith.constant 1440 : index
    %get3A_1132 = tpu.vector_load %arg6[%get3A_1131] {strides = array<i32>} : memref<1536xf32, #tpu.memory_space<vmem>>, vector<16xf32>,
    %exp3A_1133 = math.exp %get3A_1132 : vector<16xf32>
    %add3A_1134 = arith.constant 1.000000e+00 : f32
    %add3A_1135 = vector.broadcast %add3A_1134 : f32 to vector<16xf32>
    %add3A_1136 = arith.addf %add3A_1135, %exp3A_1133 : vector<16xf32>
    %div3A_1137 = arith.constant 1.000000e+00 : f32
    %div3A_1138 = vector.broadcast %div3A_1137 : f32 to vector<16xf32>
    %div3A_1139 = arith.divf %div3A_1138, %add3A_1136 : vector<16xf32>
    %swap3A_1140 = arith.constant 1440 : index
    %swap3A_1141 = tpu.vector_load %arg7[%swap3A_1140] {strides = array<i32>} : memref<1536xf32, #tpu.memory_space<vmem>>, vector<16xf32>,
    tpu.vector_store %arg7[%swap3A_1140], %div3A_1139 {strides = array<i32>} : memref<1536xf32, #tpu.memory_space<vmem>>, vector<16xf32>,
    %get3A_1142 = arith.constant 1456 : index
    %get3A_1143 = tpu.vector_load %arg6[%get3A_1142] {strides = array<i32>} : memref<1536xf32, #tpu.memory_space<vmem>>, vector<16xf32>,
    %exp3A_1144 = math.exp %get3A_1143 : vector<16xf32>
    %add3A_1145 = arith.constant 1.000000e+00 : f32
    %add3A_1146 = vector.broadcast %add3A_1145 : f32 to vector<16xf32>
    %add3A_1147 = arith.addf %add3A_1146, %exp3A_1144 : vector<16xf32>
    %div3A_1148 = arith.constant 1.000000e+00 : f32
    %div3A_1149 = vector.broadcast %div3A_1148 : f32 to vector<16xf32>
    %div3A_1150 = arith.divf %div3A_1149, %add3A_1147 : vector<16xf32>
    %swap3A_1151 = arith.constant 1456 : index
    %swap3A_1152 = tpu.vector_load %arg7[%swap3A_1151] {strides = array<i32>} : memref<1536xf32, #tpu.memory_space<vmem>>, vector<16xf32>,
    tpu.vector_store %arg7[%swap3A_1151], %div3A_1150 {strides = array<i32>} : memref<1536xf32, #tpu.memory_space<vmem>>, vector<16xf32>,
    %get3A_1153 = arith.constant 1472 : index
    %get3A_1154 = tpu.vector_load %arg6[%get3A_1153] {strides = array<i32>} : memref<1536xf32, #tpu.memory_space<vmem>>, vector<16xf32>,
    %exp3A_1155 = math.exp %get3A_1154 : vector<16xf32>
    %add3A_1156 = arith.constant 1.000000e+00 : f32
    %add3A_1157 = vector.broadcast %add3A_1156 : f32 to vector<16xf32>
    %add3A_1158 = arith.addf %add3A_1157, %exp3A_1155 : vector<16xf32>
    %div3A_1159 = arith.constant 1.000000e+00 : f32
    %div3A_1160 = vector.broadcast %div3A_1159 : f32 to vector<16xf32>
    %div3A_1161 = arith.divf %div3A_1160, %add3A_1158 : vector<16xf32>
    %swap3A_1162 = arith.constant 1472 : index
    %swap3A_1163 = tpu.vector_load %arg7[%swap3A_1162] {strides = array<i32>} : memref<1536xf32, #tpu.memory_space<vmem>>, vector<16xf32>,
    tpu.vector_store %arg7[%swap3A_1162], %div3A_1161 {strides = array<i32>} : memref<1536xf32, #tpu.memory_space<vmem>>, vector<16xf32>,
    %get3A_1164 = arith.constant 1488 : index
    %get3A_1165 = tpu.vector_load %arg6[%get3A_1164] {strides = array<i32>} : memref<1536xf32, #tpu.memory_space<vmem>>, vector<16xf32>,
    %exp3A_1166 = math.exp %get3A_1165 : vector<16xf32>
    %add3A_1167 = arith.constant 1.000000e+00 : f32
    %add3A_1168 = vector.broadcast %add3A_1167 : f32 to vector<16xf32>
    %add3A_1169 = arith.addf %add3A_1168, %exp3A_1166 : vector<16xf32>
    %div3A_1170 = arith.constant 1.000000e+00 : f32
    %div3A_1171 = vector.broadcast %div3A_1170 : f32 to vector<16xf32>
    %div3A_1172 = arith.divf %div3A_1171, %add3A_1169 : vector<16xf32>
    %swap3A_1173 = arith.constant 1488 : index
    %swap3A_1174 = tpu.vector_load %arg7[%swap3A_1173] {strides = array<i32>} : memref<1536xf32, #tpu.memory_space<vmem>>, vector<16xf32>,
    tpu.vector_store %arg7[%swap3A_1173], %div3A_1172 {strides = array<i32>} : memref<1536xf32, #tpu.memory_space<vmem>>, vector<16xf32>,
    %get3A_1175 = arith.constant 1504 : index
    %get3A_1176 = tpu.vector_load %arg6[%get3A_1175] {strides = array<i32>} : memref<1536xf32, #tpu.memory_space<vmem>>, vector<16xf32>,
    %exp3A_1177 = math.exp %get3A_1176 : vector<16xf32>
    %add3A_1178 = arith.constant 1.000000e+00 : f32
    %add3A_1179 = vector.broadcast %add3A_1178 : f32 to vector<16xf32>
    %add3A_1180 = arith.addf %add3A_1179, %exp3A_1177 : vector<16xf32>
    %div3A_1181 = arith.constant 1.000000e+00 : f32
    %div3A_1182 = vector.broadcast %div3A_1181 : f32 to vector<16xf32>
    %div3A_1183 = arith.divf %div3A_1182, %add3A_1180 : vector<16xf32>
    %swap3A_1184 = arith.constant 1504 : index
    %swap3A_1185 = tpu.vector_load %arg7[%swap3A_1184] {strides = array<i32>} : memref<1536xf32, #tpu.memory_space<vmem>>, vector<16xf32>,
    tpu.vector_store %arg7[%swap3A_1184], %div3A_1183 {strides = array<i32>} : memref<1536xf32, #tpu.memory_space<vmem>>, vector<16xf32>,
    %get3A_1186 = arith.constant 1520 : index
    %get3A_1187 = tpu.vector_load %arg6[%get3A_1186] {strides = array<i32>} : memref<1536xf32, #tpu.memory_space<vmem>>, vector<16xf32>,
    %exp3A_1188 = math.exp %get3A_1187 : vector<16xf32>
    %add3A_1189 = arith.constant 1.000000e+00 : f32
    %add3A_1190 = vector.broadcast %add3A_1189 : f32 to vector<16xf32>
    %add3A_1191 = arith.addf %add3A_1190, %exp3A_1188 : vector<16xf32>
    %div3A_1192 = arith.constant 1.000000e+00 : f32
    %div3A_1193 = vector.broadcast %div3A_1192 : f32 to vector<16xf32>
    %div3A_1194 = arith.divf %div3A_1193, %add3A_1191 : vector<16xf32>
    %swap3A_1195 = arith.constant 1520 : index
    %swap3A_1196 = tpu.vector_load %arg7[%swap3A_1195] {strides = array<i32>} : memref<1536xf32, #tpu.memory_space<vmem>>, vector<16xf32>,
    tpu.vector_store %arg7[%swap3A_1195], %div3A_1194 {strides = array<i32>} : memref<1536xf32, #tpu.memory_space<vmem>>, vector<16xf32>,
    "tpu.region"() ({
      %run_scoped3A = tpu.sem_alloc : memref<!tpu.dma_semaphore, #tpu.memory_space<semaphore_mem>>
      %dma_start3A_1197 = tpu.memref_slice %arg4[%mul3A_2] : memref<49152xf32, #tpu.memory_space<hbm>> -> memref<1536xf32, #tpu.memory_space<hbm>>
      %dma_start3A_1198 = tpu.memref_slice %arg4[%mul3A_2] : memref<49152xf32, #tpu.memory_space<hbm>> -> memref<1536xf32, #tpu.memory_space<hbm>>
      tpu.enqueue_dma source(%arg7 : memref<1536xf32, #tpu.memory_space<vmem>>) target(%dma_start3A_1198 : memref<1536xf32, #tpu.memory_space<hbm>>) target_semaphore(%run_scoped3A : memref<!tpu.dma_semaphore, #tpu.memory_space<semaphore_mem>>)
      %dma_wait3A_1199 = tpu.memref_slice %arg4[%mul3A_2] : memref<49152xf32, #tpu.memory_space<hbm>> -> memref<1536xf32, #tpu.memory_space<hbm>>
      %dma_wait3A_1200 = tpu.memref_slice %arg4[%mul3A_2] : memref<49152xf32, #tpu.memory_space<hbm>> -> memref<1536xf32, #tpu.memory_space<hbm>>
      tpu.wait_dma2 semaphore(%run_scoped3A : memref<!tpu.dma_semaphore, #tpu.memory_space<semaphore_mem>>) src(%arg7 : memref<1536xf32, #tpu.memory_space<vmem>>) dst(%dma_wait3A_1200 : memref<1536xf32, #tpu.memory_space<hbm>>)
      tpu.yield
    }) : () -> ()
    return
  }
}

</mosaic_0001>

<sc_bundles>
// kernel: _score.3.cloned.1.call-start
scs
__scs_entry_jumppad:
0x0: {  	(pc) =	sbr.rel $0x88, $3  }
0x1: {  	(tag) =	ssettag $0x0;
	lr =	simm.s32 $0x1  }
0x2: {  	[smem:$0x3F9F] =	sst lr;
	_ =	strace $0xD0000000  }
0x3: {  	_ = 	snop  }
0x4: {  	_ = 	snop  }
0x5: {  	_ = 	snop  }
0x6: {  	_ = 	snop  }
0x7: {  	_ = 	snop  }
__scs_overlays_trampoline_lowered:
0x8: {  	[smem:$0x3FAE] =	sst s0  }
0x9: {  	[smem:$0x3FAF] =	sst s1  }
0xa: {  	[smem:$0x3FB0] =	sst s2  }
0xb: {  	[smem:$0x3FB1] =	sst s3  }
0xc: {  	[smem:$0x3FB2] =	sst s4  }
0xd: {  	[smem:$0x3FB3] =	sst s5  }
0xe: {  	[smem:$0x3FB4] =	sst s6  }
0xf: {  	[smem:$0x3FB5] =	sst s7  }
0x10: {  	[smem:$0x3FB6] =	sst s8  }
0x11: {  	[smem:$0x3FB7] =	sst s9;
	s0 =	simm.s32 @!p0 $0x0  }
0x12: {  	s1 =	sld [smem:$0x3F9D];
	s0 =	simm.s32 @p0 $0x1  }
0x13: {  	[smem:$0x3FB8] =	sst s0;
	s0 =	simm.s32 @!p1 $0x0  }
0x14: {  	s2 =	sld [smem:$0x3F9C];
	s0 =	simm.s32 @p1 $0x1  }
0x15: {  	[smem:$0x3FB9] =	sst s0;
	s0 =	simm.s32 @!p2 $0x0  }
0x16: {  	s3 =	sld [smem:$0x3FDB];
	s0 =	simm.s32 @p2 $0x1  }
0x17: {  	s4 =	simm.s32 $0x1BF5;
	[smem:$0x3FBB] =	sst s0  }
0x18: {  	s0 =	sld [smem:$0x3F9E];
	_ =	swait.ge [sflag:s4], $0x0  }
0x19: {  	s7 =	sld [smem:$0x3F9F]  }
0x1a: {  	s8 =	sadd.s32 $0xFFFFE003, lr  }
0x1b: {  	s9 =	sadd.s32 $0xFFFFFEF7, lr;
	s5 =	simm.s32 $0xFFFFFFFF;
	p2 =	slt.u32 s8, $0xFFFFF086  }
0x1c: {  	p1 =	slt.u32 s9, $0xF7A;
	s5 =	simm.s32 @!p2 $0x0  }
0x1d: {  	s5 =	simm.s32 @p1 $0x1;
	p0 =	seq.s32 s7, s2  }
0x1e: {  	s7 =	smul.u32 @!p0 $0xF7A, s2;
	p2 =	seq.s32 @!p0 s5, $0x0  }
0x1f: {  	s9 =	smul.u32 $0xF7A, s1;
	s8 =	simm.s32 @!p0 $0x1BF5;
	p2 =	por !p2, p0  }
0x20: {  	[sflag:s8] =	ssyncset.s32 @!p0 $0xFFFFF086;
	s6 =	sadd.s32 @!p0 s3, s7;
	s7 =	simm.s32 @!p0 $0x108  }
0x21: {  	s3 =	sadd.s32 s3, s9;
	s6 =	sadd.s32 @!p0 $0x88, s6;
	s7 =	simm.s32 @p2 $0x1082  }
0x22: {  	[simem:s7], [sflag:s8] =	dma.local @!p0 [hbm:s6], $0xF7A  }
0x23: {  	s9 =	sor.u32 $0xD0000000, s2;
	s6 =	simm.s32 $0x108;
	_ =	swait.ge @!p0 [sflag:s8], $0x0  }
0x24: {  	s3 =	sadd.s32 $0x88, s3;
	s6 =	simm.s32 @!p1 $0x1082;
	[sflag:s4] =	ssyncset.s32 $0xFFFFF086  }
0x25: {  	[simem:s6], [sflag:s4] =	dma.local [hbm:s3], $0xF7A  }
0x26: {  	[smem:$0x3F9F] =	sst s1;
	(tag) =	ssettag s2;
	_ =	strace s9  }
0x27: {  	s1 =	sld [smem:$0x3FAF]  }
0x28: {  	s2 =	sld [smem:$0x3FB0]  }
0x29: {  	s4 =	sld [smem:$0x3FB2]  }
0x2a: {  	p0 =	seq.s32 s5, $0x0;
	s5 =	sld [smem:$0x3FB3]  }
0x2b: {  	s6 =	sld [smem:$0x3FB4]  }
0x2c: {  	s7 =	sld [smem:$0x3FB5]  }
0x2d: {  	s3 =	simm.s32 $0x108;
	s8 =	sld [smem:$0x3FB6]  }
0x2e: {  	s3 =	simm.s32 @!p0 $0x1082;
	s9 =	sld [smem:$0x3FB7]  }
0x2f: {  	lr =	sadd.s32 s0, s3;
	s0 =	sld [smem:$0x3FAE]  }
0x30: {  	s3 =	sld [smem:$0x3FB1]  }
0x31: {  	[smem:$0x3FBA] =	sst s10  }
0x32: {  	s10 =	sld [smem:$0x3FB8];
	_ =	sdelay $0x3  }
0x33: {  	p0 =	seq.s32 s10, $0x1;
	s10 =	sld [smem:$0x3FBA];
	_ =	sdelay $0x3  }
0x34: {  	[smem:$0x3FBA] =	sst s10  }
0x35: {  	s10 =	sld [smem:$0x3FB9];
	_ =	sdelay $0x3  }
0x36: {  	p1 =	seq.s32 s10, $0x1;
	s10 =	sld [smem:$0x3FBA];
	_ =	sdelay $0x3  }
0x37: {  	[smem:$0x3FBA] =	sst s10  }
0x38: {  	s10 =	sld [smem:$0x3FBB]  }
0x39: {  	_ = 	snop;
	(pc) =	sbr.ind lr, $3  }
0x3a: {  	_ = 	snop  }
0x3b: {  	_ = 	snop  }
0x3c: {  	p2 =	seq.s32 s10, $0x1;
	s10 =	sld [smem:$0x3FBA]  }
0x3d: {  	_ =	shalt  }
0x3e: {  	_ =	shalt  }
0x3f: {  	_ =	shalt  }
0x40: {  	_ =	shalt  }
0x41: {  	_ =	shalt  }
0x42: {  	_ =	shalt  }
0x43: {  	_ =	shalt  }
0x44: {  	_ =	shalt  }
0x45: {  	_ =	shalt  }
0x46: {  	_ =	shalt  }
0x47: {  	_ =	shalt  }
0x48: {  	_ =	shalt  }
0x49: {  	_ =	shalt  }
0x4a: {  	_ =	shalt  }
0x4b: {  	_ =	shalt  }
0x4c: {  	_ =	shalt  }
0x4d: {  	_ =	shalt  }
0x4e: {  	_ =	shalt  }
0x4f: {  	_ =	shalt  }
0x50: {  	_ =	shalt  }
0x51: {  	_ =	shalt  }
0x52: {  	_ =	shalt  }
0x53: {  	_ =	shalt  }
0x54: {  	_ =	shalt  }
0x55: {  	_ =	shalt  }
0x56: {  	_ =	shalt  }
0x57: {  	_ =	shalt  }
0x58: {  	_ =	shalt  }
0x59: {  	_ =	shalt  }
0x5a: {  	_ =	shalt  }
0x5b: {  	_ =	shalt  }
0x5c: {  	_ =	shalt  }
0x5d: {  	_ =	shalt  }
0x5e: {  	_ =	shalt  }
0x5f: {  	_ =	shalt  }
0x60: {  	_ =	shalt  }
0x61: {  	_ =	shalt  }
0x62: {  	_ =	shalt  }
0x63: {  	_ =	shalt  }
0x64: {  	_ =	shalt  }
0x65: {  	_ =	shalt  }
0x66: {  	_ =	shalt  }
0x67: {  	_ =	shalt  }
0x68: {  	_ =	shalt  }
0x69: {  	_ =	shalt  }
0x6a: {  	_ =	shalt  }
0x6b: {  	_ =	shalt  }
0x6c: {  	_ =	shalt  }
0x6d: {  	_ =	shalt  }
0x6e: {  	_ =	shalt  }
0x6f: {  	_ =	shalt  }
0x70: {  	_ =	shalt  }
0x71: {  	_ =	shalt  }
0x72: {  	_ =	shalt  }
0x73: {  	_ =	shalt  }
0x74: {  	_ =	shalt  }
0x75: {  	_ =	shalt  }
0x76: {  	_ =	shalt  }
0x77: {  	_ =	shalt  }
0x78: {  	_ =	shalt  }
0x79: {  	_ =	shalt  }
0x7a: {  	_ =	shalt  }
0x7b: {  	_ =	shalt  }
0x7c: {  	_ =	shalt  }
0x7d: {  	_ =	shalt  }
0x7e: {  	_ =	shalt  }
0x7f: {  	_ =	shalt  }
0x80: {  	_ =	shalt  }
0x81: {  	_ =	shalt  }
0x82: {  	_ =	shalt  }
0x83: {  	_ =	shalt  }
0x84: {  	_ =	shalt  }
0x85: {  	_ =	shalt  }
0x86: {  	_ =	shalt  }
0x87: {  	_ =	shalt  }
.Lfunc_end0:
.L_simem_size_0:
called_computation_lowered:
.L_overlay_start_0:
0x88: {  	s2 =	sld [smem:$0x3FD9]  }
0x89: {  	s3 =	sld [smem:$0x3FFE];
	_ =	sdelay $0x1  }
0x8a: {  	s1 =	srdreg.scid  }
0x8b: {  	s0 =	sand.u32 $0x1, s1  }
0x8c: {  	s18 =	sshll.u32 s0, $0xA;
	s2 =	sadd.s32 s3, s2  }
0x8d: {  	s2 =	sadd.s32 s2, s18  }
0x8e: {  	[smem:$0x3FC6] =	sst s2  }
0x8f: {  	_ = 	snop  }
0x90: {  	s2 =	sld [smem:$0x3FC9]  }
0x91: {  	s19 =	sld [smem:$0x3FC8]  }
0x92: {  	s4 =	sld [smem:$0x3FD0];
	(tm) =	ssettm $0x1  }
0x93: {  	s5 =	sld [smem:$0x3FFB];
	_ =	sdelay $0x3  }
0x94: {  	_ =	strace s5  }
0x95: {  	s5 =	sld [smem:$0x3FFC];
	_ =	sdelay $0x3  }
0x96: {  	_ =	strace s5  }
0x97: {  	s5 =	sld [smem:$0x3FFD];
	_ =	sdelay $0x3  }
0x98: {  	_ =	strace s5  }
0x99: {  	_ =	strace $0x8FFFFFFF  }
0x9a: {  	s20 =	sld [smem:$0x3FDB];
	_ =	sdelay $0x1  }
0x9b: {  	s6 =	simm.s32 $_scs_section_size  }
0x9c: {  	s7 =	simm.s32 $_size__tile_overlayer_lowered;
	s8 =	simm.s32 $_tile_overlayer_lowered  }
0x9d: {  	s23 =	simm.s32 $0x1BFF;
	s22 =	sshll.u32 s8, $0x1;
	s5 =	sadd.s32 s6, s20  }
0x9e: {  	s9 =	simm.s32 $0x0;
	s21 =	sshll.u32 s7, $0x1;
	s7 =	sadd.s32 s22, s5  }
0x9f: {  	[timem:s9], [sflag:s23] =	dma.local [hbm:s7], s21  }
0xa0: {  	_ =	swait.ge [sflag:s23], s21  }
0xa1: {  	s6 =	ssub.s32 $0x0, s21;
	[sflag:s23] =	ssyncset.done $0x0  }
0xa2: {  	[sflag:s23] =	ssyncadd.s32 s6;
	_ =	sdelay $0x1  }
0xa3: {  	s24 =	simm.s32 $0x1B8B  }
0xa4: {  	_ =	swait.ge [sflag:s24], $0x1  }
0xa5: {  	[sflag:s24] =	ssyncset.done $0x0  }
0xa6: {  	s25 =	simm.s32 $0x1B8E;
	[sflag:s24] =	ssyncadd.s32 $0xFFFFFFFF  }
0xa7: {  	s26 =	simm.s32 $execute0_lowered;
	[smem:$0x3FD2] =	sst s25  }
0xa8: {  	s6 =	sshll.u32 s26, $0x1;
	_ =	strace $0x80000046;
	[dreg:$0x1] =	wrdreg $0xFFFFFFFF  }
0xa9: {  	s28 =	simm.s32 $_size_execute0_lowered;
	s5 =	sadd.s32 s5, s6;
	[dreg:$0x0] =	wrdreg $0x0  }
0xaa: {  	s6 =	sshll.u32 s28, $0x1;
	[dreg:$0x2] =	wrdreg s5  }
0xab: {  	[dreg:$0x3] =	wrdreg s6  }
0xac: {  	[dreg:$0x4] =	wrdreg $0xC0  }
0xad: {  	_ =	task [dreg:s9], $0x5FFFF  }
0xae: {  	[dreg:$0x1] =	wrdreg $0xFFFFFFFF  }
0xaf: {  	[dreg:$0x0] =	wrdreg $0x60  }
0xb0: {  	[dreg:$0x2] =	wrdreg s2  }
0xb1: {  	[dreg:$0x3] =	wrdreg s19  }
0xb2: {  	[dreg:$0x4] =	wrdreg s4  }
0xb3: {  	[dreg:$0x5] =	wrdreg $0x9  }
0xb4: {  	_ =	task.clear_ibuf [dreg:s9], $0x6FFFF;
	_ =	strace $0x90000046  }
0xb5: {  	s29 =	simm.s32 $0x9;
	_ =	strace $0x80000048  }
0xb6: {  	_ =	swait.ge [sflag:s29], $0x1  }
0xb7: {  	[sflag:s29] =	ssyncadd.s32 $0xFFFFFFFF  }
0xb8: {  	_ =	strace $0x90000048  }
0xb9: {  	_ =	sfence  }
0xba: {  	s30 =	sld [smem:$0x0];
	_ =	sdelay $0x2  }
0xbb: {  	s31 =	sshll.u32 s1, $0xD;
	s1 =	sshrl.u32 s1, $0x2  }
0xbc: {  	s3 =	sand.u32 $0x4000, s31;
	s1 =	sadd.s32 s1, s30  }
0xbd: {  	s0 =	sor.u32 s3, s0;
	s1 =	sshll.u32 s1, $0x11  }
0xbe: {  	s0 =	sor.u32 s1, s0  }
0xbf: {  	s0 =	sadd.s32 $0x8F2B, s0  }
0xc0: {  	[sflag:s0] =	ssyncadd.remote.s32 $0x1  }
0xc1: {  	_ =	sfence.sel $0xFFFF  }
0xc2: {  	[dreg:$0x0] =	wrdreg $0xFFFFFFFF;
	(pc) =	sbr.abs _section_cstart, $3  }
0xc3: {  	[dreg:$0x1] =	wrdreg $0xFFFFFFFF  }
0xc4: {  	_ =	task.clear_ibuf [dreg:s9], $0x2FFFF;
	_ =	strace $0x9FFFFFFF  }
0xc5: {  	(tm) =	ssettm $0x7FFFFFFF  }
tec
execute0_lowered:
.L_overlay_start_1:
0x0: {  	(tag) =	ssettag $0x1  }
0x1: {  	s1 =	rddreg [dreg:$0x0]  }
0x2: {  	s2 =	srdreg.scid;
	s4 =	rddreg [dreg:$0x1]  }
0x3: {  	s0 =	stileid.u32;
	s5 =	rddreg [dreg:$0x2];
	s8 =	simm.s32 $0x600  }
0x4: {  	s9 =	simm.s32 $0x680;
	s10 =	simm.s32 $0x100;
	s11 =	simm.s32 $0x700  }
0x5: {  	s12 =	simm.s32 $0x180;
	s13 =	simm.s32 $0x780;
	s14 =	simm.s32 $0x200  }
0x6: {  	s15 =	simm.s32 $0x800;
	s16 =	simm.s32 $0x280;
	s17 =	simm.s32 $0x880  }
0x7: {  	s18 =	simm.s32 $0x300;
	s19 =	simm.s32 $0x900;
	s20 =	simm.s32 $0x380  }
0x8: {  	s21 =	simm.s32 $0x980;
	s22 =	simm.s32 $0x400;
	s23 =	simm.s32 $0xA00  }
0x9: {  	s24 =	simm.s32 $0x480;
	s25 =	simm.s32 $0xA80;
	s26 =	simm.s32 $0x500  }
0xa: {  	s28 =	simm.s32 $0xB00;
	s2 =	sand.u32 $0x1, s2;
	s3 =	sshll.u32 s0, $0x1  }
0xb: {  	s29 =	simm.s32 $0x580;
	s30 =	simm.s32 $0xB80;
	s6 =	sor.u32 s2, s3  }
0xc: {  	s3 =	simm.s32 $0x0;
	s2 =	ssub.s32 $0x2, s2;
	s6 =	smul.u32 $0xC0, s6  }
0xd: {  	s31 =	simm.s32 $0x1;
	[smem:$0x7FF] =	sst s3;
	s7 =	sshrl.u32 s2, $0x1  }
0xe: {  	_ =	strace $0x80000047;
	s2 =	ssub.s32 s2, s7;
	s4 =	sadd.s32 s4, s6  }
0xf: {  	s7 =	simm.s32 $0x80;
	[dreg:$0x4] =	wrdreg s4;
	s4 =	sadd.s32 s5, s6  }
0x10: {  	s5 =	smax.u32 s2, $0x1;
	s6 =	simm.s32 $0x2;
	s2 =	simm.s32 $0xC00  }
.LBB2_1:
0x11: {  	s0 =	rddreg [dreg:$0x4]  }
0x12: {  	[tilespmem:s3], [sflag:$0x2] =	stream.linear.gather [hbm4b:s0+s3], $0x600, $0x38;
	[tilespmem:$0x1200] =	vst v63  }
0x13: {  	_ =	swait.ge [sflag:s6], $0x600  }
0x14: {  	[sflag:s6] =	ssyncset.done $0x0  }
0x15: {  	[sflag:s6] =	ssyncadd.s32 $0xFFFFFA00  }
0x16: {  	[tilespmem:s8], [sflag:$0x1] =	stream.indirect.gather [hbm4b:s1+s7], $0x1, s3, s7, $0xb8;
	[tilespmem:$0x1200] =	vst v63  }
0x17: {  	_ = 	snop  }
0x18: {  	[tilespmem:s9], [sflag:$0x1] =	stream.indirect.gather [hbm4b:s1+s7], $0x1, s7, s7, $0xb8;
	[tilespmem:$0x1200] =	vst v63  }
0x19: {  	_ = 	snop  }
0x1a: {  	[tilespmem:s11], [sflag:$0x1] =	stream.indirect.gather [hbm4b:s1+s7], $0x1, s10, s7, $0xb8;
	[tilespmem:$0x1200] =	vst v63  }
0x1b: {  	_ = 	snop  }
0x1c: {  	[tilespmem:s13], [sflag:$0x1] =	stream.indirect.gather [hbm4b:s1+s7], $0x1, s12, s7, $0xb8;
	[tilespmem:$0x1200] =	vst v63  }
0x1d: {  	_ = 	snop  }
0x1e: {  	[tilespmem:s15], [sflag:$0x1] =	stream.indirect.gather [hbm4b:s1+s7], $0x1, s14, s7, $0xb8;
	[tilespmem:$0x1200] =	vst v63  }
0x1f: {  	_ = 	snop  }
0x20: {  	[tilespmem:s17], [sflag:$0x1] =	stream.indirect.gather [hbm4b:s1+s7], $0x1, s16, s7, $0xb8;
	[tilespmem:$0x1200] =	vst v63  }
0x21: {  	_ = 	snop  }
0x22: {  	[tilespmem:s19], [sflag:$0x1] =	stream.indirect.gather [hbm4b:s1+s7], $0x1, s18, s7, $0xb8;
	[tilespmem:$0x1200] =	vst v63  }
0x23: {  	_ = 	snop  }
0x24: {  	[tilespmem:s21], [sflag:$0x1] =	stream.indirect.gather [hbm4b:s1+s7], $0x1, s20, s7, $0xb8;
	[tilespmem:$0x1200] =	vst v63  }
0x25: {  	_ = 	snop  }
0x26: {  	[tilespmem:s23], [sflag:$0x1] =	stream.indirect.gather [hbm4b:s1+s7], $0x1, s22, s7, $0xb8;
	[tilespmem:$0x1200] =	vst v63  }
0x27: {  	_ = 	snop  }
0x28: {  	[tilespmem:s25], [sflag:$0x1] =	stream.indirect.gather [hbm4b:s1+s7], $0x1, s24, s7, $0xb8;
	[tilespmem:$0x1200] =	vst v63  }
0x29: {  	_ = 	snop  }
0x2a: {  	[tilespmem:s28], [sflag:$0x1] =	stream.indirect.gather [hbm4b:s1+s7], $0x1, s26, s7, $0xb8;
	[tilespmem:$0x1200] =	vst v63  }
0x2b: {  	_ = 	snop  }
0x2c: {  	[tilespmem:s30], [sflag:$0x1] =	stream.indirect.gather [hbm4b:s1+s7], $0x1, s29, s7, $0xb8;
	[tilespmem:$0x1200] =	vst v63  }
0x2d: {  	_ =	swait.ge [sflag:s31], $0x80  }
0x2e: {  	[sflag:s31] =	ssyncset.done $0x0  }
0x2f: {  	[sflag:s31] =	ssyncadd.s32 $0xFFFFFF80  }
0x30: {  	v0 =	vld [tilespmem:$0x600];
	_ =	sdelay $0x4  }
0x31: {  	v0 =	vmul.f32 $1.442695020e+00, v0;
	_ =	sdelay $0x1  }
0x32: {  	(erf) = vpow2.f32 v0;
	_ =	sdelay $0x5  }
0x33: {  	v22 =	vld [tilespmem:$0x610];
	_ =	sdelay $0x2  }
0x34: {  	v1 =	vpop (erf)  }
0x35: {  	v1 =	vadd.f32 $1.000000000e+00, v1  }
0x36: {  	v0 =	vmul.f32 $1.442695020e+00, v22  }
0x37: {  	(erf) = vrcp.f32 v1  }
0x38: {  	(erf) = vpow2.f32 v0;
	_ =	sdelay $0x5  }
0x39: {  	v23 =	vld [tilespmem:$0x620];
	_ =	sdelay $0x1  }
0x3a: {  	v1 =	vpop (erf)  }
0x3b: {  	v2 =	vpop (erf)  }
0x3c: {  	v2 =	vadd.f32 $1.000000000e+00, v2  }
0x3d: {  	v0 =	vmul.f32 $1.442695020e+00, v23  }
0x3e: {  	(erf) = vrcp.f32 v2  }
0x3f: {  	(erf) = vpow2.f32 v0;
	_ =	sdelay $0x5  }
0x40: {  	v24 =	vld [tilespmem:$0x630];
	_ =	sdelay $0x1  }
0x41: {  	v2 =	vpop (erf)  }
0x42: {  	v3 =	vpop (erf)  }
0x43: {  	v3 =	vadd.f32 $1.000000000e+00, v3  }
0x44: {  	v0 =	vmul.f32 $1.442695020e+00, v24  }
0x45: {  	(erf) = vrcp.f32 v3  }
0x46: {  	(erf) = vpow2.f32 v0;
	_ =	sdelay $0x5  }
0x47: {  	v25 =	vld [tilespmem:$0x640];
	_ =	sdelay $0x1  }
0x48: {  	v3 =	vpop (erf)  }
0x49: {  	v4 =	vpop (erf)  }
0x4a: {  	v4 =	vadd.f32 $1.000000000e+00, v4  }
0x4b: {  	v0 =	vmul.f32 $1.442695020e+00, v25  }
0x4c: {  	(erf) = vrcp.f32 v4  }
0x4d: {  	(erf) = vpow2.f32 v0;
	_ =	sdelay $0x5  }
0x4e: {  	v26 =	vld [tilespmem:$0x650];
	_ =	sdelay $0x1  }
0x4f: {  	v4 =	vpop (erf)  }
0x50: {  	v5 =	vpop (erf)  }
0x51: {  	v5 =	vadd.f32 $1.000000000e+00, v5  }
0x52: {  	v0 =	vmul.f32 $1.442695020e+00, v26  }
0x53: {  	(erf) = vrcp.f32 v5  }
0x54: {  	(erf) = vpow2.f32 v0;
	_ =	sdelay $0x5  }
0x55: {  	v27 =	vld [tilespmem:$0x660];
	_ =	sdelay $0x1  }
0x56: {  	v5 =	vpop (erf)  }
0x57: {  	v6 =	vpop (erf)  }
0x58: {  	v6 =	vadd.f32 $1.000000000e+00, v6  }
0x59: {  	v0 =	vmul.f32 $1.442695020e+00, v27  }
0x5a: {  	(erf) = vrcp.f32 v6  }
0x5b: {  	(erf) = vpow2.f32 v0;
	_ =	sdelay $0x5  }
0x5c: {  	v28 =	vld [tilespmem:$0x670];
	_ =	sdelay $0x1  }
0x5d: {  	v6 =	vpop (erf)  }
0x5e: {  	v7 =	vpop (erf)  }
0x5f: {  	v7 =	vadd.f32 $1.000000000e+00, v7  }
0x60: {  	v0 =	vmul.f32 $1.442695020e+00, v28  }
0x61: {  	(erf) = vrcp.f32 v7  }
0x62: {  	(erf) = vpow2.f32 v0;
	_ =	sdelay $0x7  }
0x63: {  	v29 =	vpop (erf)  }
0x64: {  	v30 =	vpop (erf)  }
0x65: {  	v7 =	vadd.f32 $1.000000000e+00, v30;
	_ =	sdelay $0x1  }
0x66: {  	(erf) = vrcp.f32 v7;
	_ =	sdelay $0x2  }
0x67: {  	[tilespmem:$0xC00] =	vst v1  }
0x68: {  	[tilespmem:$0xC10] =	vst v2  }
0x69: {  	[tilespmem:$0xC20] =	vst v3  }
0x6a: {  	[tilespmem:$0xC30] =	vst v4  }
0x6b: {  	[tilespmem:$0xC40] =	vst v5  }
0x6c: {  	[tilespmem:$0xC50] =	vst v6  }
0x6d: {  	[tilespmem:$0xC60] =	vst v29;
	v31 =	vpop (erf)  }
0x6e: {  	[tilespmem:$0xC70] =	vst v31  }
0x6f: {  	_ =	swait.ge [sflag:s31], $0x80  }
0x70: {  	[sflag:s31] =	ssyncset.done $0x0  }
0x71: {  	[sflag:s31] =	ssyncadd.s32 $0xFFFFFF80  }
0x72: {  	v32 =	vld [tilespmem:$0x680];
	_ =	sdelay $0x4  }
0x73: {  	v0 =	vmul.f32 $1.442695020e+00, v32;
	_ =	sdelay $0x1  }
0x74: {  	(erf) = vpow2.f32 v0;
	_ =	sdelay $0x5  }
0x75: {  	v33 =	vld [tilespmem:$0x690];
	_ =	sdelay $0x2  }
0x76: {  	v34 =	vpop (erf)  }
0x77: {  	v1 =	vadd.f32 $1.000000000e+00, v34  }
0x78: {  	v0 =	vmul.f32 $1.442695020e+00, v33  }
0x79: {  	(erf) = vrcp.f32 v1  }
0x7a: {  	(erf) = vpow2.f32 v0;
	_ =	sdelay $0x5  }
0x7b: {  	v35 =	vld [tilespmem:$0x6A0];
	_ =	sdelay $0x1  }
0x7c: {  	v1 =	vpop (erf)  }
0x7d: {  	v36 =	vpop (erf)  }
0x7e: {  	v2 =	vadd.f32 $1.000000000e+00, v36  }
0x7f: {  	v0 =	vmul.f32 $1.442695020e+00, v35  }
0x80: {  	(erf) = vrcp.f32 v2  }
0x81: {  	(erf) = vpow2.f32 v0;
	_ =	sdelay $0x5  }
0x82: {  	v37 =	vld [tilespmem:$0x6B0];
	_ =	sdelay $0x1  }
0x83: {  	v2 =	vpop (erf)  }
0x84: {  	v38 =	vpop (erf)  }
0x85: {  	v3 =	vadd.f32 $1.000000000e+00, v38  }
0x86: {  	v0 =	vmul.f32 $1.442695020e+00, v37  }
0x87: {  	(erf) = vrcp.f32 v3  }
0x88: {  	(erf) = vpow2.f32 v0;
	_ =	sdelay $0x5  }
0x89: {  	v39 =	vld [tilespmem:$0x6C0];
	_ =	sdelay $0x1  }
0x8a: {  	v3 =	vpop (erf)  }
0x8b: {  	v40 =	vpop (erf)  }
0x8c: {  	v4 =	vadd.f32 $1.000000000e+00, v40  }
0x8d: {  	v0 =	vmul.f32 $1.442695020e+00, v39  }
0x8e: {  	(erf) = vrcp.f32 v4  }
0x8f: {  	(erf) = vpow2.f32 v0;
	_ =	sdelay $0x5  }
0x90: {  	v41 =	vld [tilespmem:$0x6D0];
	_ =	sdelay $0x1  }
0x91: {  	v4 =	vpop (erf)  }
0x92: {  	v42 =	vpop (erf)  }
0x93: {  	v5 =	vadd.f32 $1.000000000e+00, v42  }
0x94: {  	v0 =	vmul.f32 $1.442695020e+00, v41  }
0x95: {  	(erf) = vrcp.f32 v5  }
0x96: {  	(erf) = vpow2.f32 v0;
	_ =	sdelay $0x5  }
0x97: {  	v43 =	vld [tilespmem:$0x6E0];
	_ =	sdelay $0x1  }
0x98: {  	v5 =	vpop (erf)  }
0x99: {  	v44 =	vpop (erf)  }
0x9a: {  	v6 =	vadd.f32 $1.000000000e+00, v44  }
0x9b: {  	v0 =	vmul.f32 $1.442695020e+00, v43  }
0x9c: {  	(erf) = vrcp.f32 v6  }
0x9d: {  	(erf) = vpow2.f32 v0;
	_ =	sdelay $0x5  }
0x9e: {  	v45 =	vld [tilespmem:$0x6F0];
	_ =	sdelay $0x1  }
0x9f: {  	v6 =	vpop (erf)  }
0xa0: {  	v46 =	vpop (erf)  }
0xa1: {  	v7 =	vadd.f32 $1.000000000e+00, v46  }
0xa2: {  	v0 =	vmul.f32 $1.442695020e+00, v45  }
0xa3: {  	(erf) = vrcp.f32 v7  }
0xa4: {  	(erf) = vpow2.f32 v0;
	_ =	sdelay $0x7  }
0xa5: {  	v47 =	vpop (erf)  }
0xa6: {  	v48 =	vpop (erf)  }
0xa7: {  	v7 =	vadd.f32 $1.000000000e+00, v48;
	_ =	sdelay $0x1  }
0xa8: {  	(erf) = vrcp.f32 v7;
	_ =	sdelay $0x2  }
0xa9: {  	[tilespmem:$0xC80] =	vst v1  }
0xaa: {  	[tilespmem:$0xC90] =	vst v2  }
0xab: {  	[tilespmem:$0xCA0] =	vst v3  }
0xac: {  	[tilespmem:$0xCB0] =	vst v4  }
0xad: {  	[tilespmem:$0xCC0] =	vst v5  }
0xae: {  	[tilespmem:$0xCD0] =	vst v6  }
0xaf: {  	[tilespmem:$0xCE0] =	vst v47;
	v49 =	vpop (erf)  }
0xb0: {  	[tilespmem:$0xCF0] =	vst v49  }
0xb1: {  	_ =	swait.ge [sflag:s31], $0x80  }
0xb2: {  	[sflag:s31] =	ssyncset.done $0x0  }
0xb3: {  	[sflag:s31] =	ssyncadd.s32 $0xFFFFFF80  }
0xb4: {  	v50 =	vld [tilespmem:$0x700];
	_ =	sdelay $0x4  }
0xb5: {  	v0 =	vmul.f32 $1.442695020e+00, v50;
	_ =	sdelay $0x1  }
0xb6: {  	(erf) = vpow2.f32 v0;
	_ =	sdelay $0x5  }
0xb7: {  	v0 =	vld [tilespmem:$0x710];
	_ =	sdelay $0x2  }
0xb8: {  	v51 =	vpop (erf)  }
0xb9: {  	v1 =	vadd.f32 $1.000000000e+00, v51  }
0xba: {  	v0 =	vmul.f32 $1.442695020e+00, v0  }
0xbb: {  	(erf) = vrcp.f32 v1  }
0xbc: {  	(erf) = vpow2.f32 v0;
	_ =	sdelay $0x5  }
0xbd: {  	v52 =	vld [tilespmem:$0x720];
	_ =	sdelay $0x1  }
0xbe: {  	v1 =	vpop (erf)  }
0xbf: {  	v53 =	vpop (erf)  }
0xc0: {  	v2 =	vadd.f32 $1.000000000e+00, v53  }
0xc1: {  	v0 =	vmul.f32 $1.442695020e+00, v52  }
0xc2: {  	(erf) = vrcp.f32 v2  }
0xc3: {  	(erf) = vpow2.f32 v0;
	_ =	sdelay $0x5  }
0xc4: {  	v54 =	vld [tilespmem:$0x730];
	_ =	sdelay $0x1  }
0xc5: {  	v2 =	vpop (erf)  }
0xc6: {  	v55 =	vpop (erf)  }
0xc7: {  	v3 =	vadd.f32 $1.000000000e+00, v55  }
0xc8: {  	v0 =	vmul.f32 $1.442695020e+00, v54  }
0xc9: {  	(erf) = vrcp.f32 v3  }
0xca: {  	(erf) = vpow2.f32 v0;
	_ =	sdelay $0x5  }
0xcb: {  	v56 =	vld [tilespmem:$0x740];
	_ =	sdelay $0x1  }
0xcc: {  	v3 =	vpop (erf)  }
0xcd: {  	v57 =	vpop (erf)  }
0xce: {  	v4 =	vadd.f32 $1.000000000e+00, v57  }
0xcf: {  	v0 =	vmul.f32 $1.442695020e+00, v56  }
0xd0: {  	(erf) = vrcp.f32 v4  }
0xd1: {  	(erf) = vpow2.f32 v0;
	_ =	sdelay $0x5  }
0xd2: {  	v58 =	vld [tilespmem:$0x750];
	_ =	sdelay $0x1  }
0xd3: {  	v4 =	vpop (erf)  }
0xd4: {  	v59 =	vpop (erf)  }
0xd5: {  	v5 =	vadd.f32 $1.000000000e+00, v59  }
0xd6: {  	v0 =	vmul.f32 $1.442695020e+00, v58  }
0xd7: {  	(erf) = vrcp.f32 v5  }
0xd8: {  	(erf) = vpow2.f32 v0;
	_ =	sdelay $0x5  }
0xd9: {  	v60 =	vld [tilespmem:$0x760];
	_ =	sdelay $0x1  }
0xda: {  	v5 =	vpop (erf)  }
0xdb: {  	v61 =	vpop (erf)  }
0xdc: {  	v6 =	vadd.f32 $1.000000000e+00, v61  }
0xdd: {  	v0 =	vmul.f32 $1.442695020e+00, v60  }
0xde: {  	(erf) = vrcp.f32 v6  }
0xdf: {  	(erf) = vpow2.f32 v0;
	_ =	sdelay $0x5  }
0xe0: {  	v62 =	vld [tilespmem:$0x770];
	_ =	sdelay $0x1  }
0xe1: {  	v6 =	vpop (erf)  }
0xe2: {  	v63 =	vpop (erf)  }
0xe3: {  	v7 =	vadd.f32 $1.000000000e+00, v63  }
0xe4: {  	v0 =	vmul.f32 $1.442695020e+00, v62  }
0xe5: {  	(erf) = vrcp.f32 v7  }
0xe6: {  	(erf) = vpow2.f32 v0;
	_ =	sdelay $0x7  }
0xe7: {  	v9 =	vpop (erf)  }
0xe8: {  	v10 =	vpop (erf)  }
0xe9: {  	v7 =	vadd.f32 $1.000000000e+00, v10;
	_ =	sdelay $0x1  }
0xea: {  	(erf) = vrcp.f32 v7;
	_ =	sdelay $0x2  }
0xeb: {  	[tilespmem:$0xD00] =	vst v1  }
0xec: {  	[tilespmem:$0xD10] =	vst v2  }
0xed: {  	[tilespmem:$0xD20] =	vst v3  }
0xee: {  	[tilespmem:$0xD30] =	vst v4  }
0xef: {  	[tilespmem:$0xD40] =	vst v5  }
0xf0: {  	[tilespmem:$0xD50] =	vst v6  }
0xf1: {  	[tilespmem:$0xD60] =	vst v9;
	v11 =	vpop (erf)  }
0xf2: {  	[tilespmem:$0xD70] =	vst v11  }
0xf3: {  	_ =	swait.ge [sflag:s31], $0x80  }
0xf4: {  	[sflag:s31] =	ssyncset.done $0x0  }
0xf5: {  	[sflag:s31] =	ssyncadd.s32 $0xFFFFFF80  }
0xf6: {  	v12 =	vld [tilespmem:$0x780];
	_ =	sdelay $0x4  }
0xf7: {  	v0 =	vmul.f32 $1.442695020e+00, v12;
	_ =	sdelay $0x1  }
0xf8: {  	(erf) = vpow2.f32 v0;
	_ =	sdelay $0x5  }
0xf9: {  	v13 =	vld [tilespmem:$0x790];
	_ =	sdelay $0x2  }
0xfa: {  	v14 =	vpop (erf)  }
0xfb: {  	v1 =	vadd.f32 $1.000000000e+00, v14  }
0xfc: {  	v0 =	vmul.f32 $1.442695020e+00, v13  }
0xfd: {  	(erf) = vrcp.f32 v1  }
0xfe: {  	(erf) = vpow2.f32 v0;
	_ =	sdelay $0x5  }
0xff: {  	v15 =	vld [tilespmem:$0x7A0];
	_ =	sdelay $0x1  }
0x100: {  	v1 =	vpop (erf)  }
0x101: {  	v16 =	vpop (erf)  }
0x102: {  	v2 =	vadd.f32 $1.000000000e+00, v16  }
0x103: {  	v0 =	vmul.f32 $1.442695020e+00, v15  }
0x104: {  	(erf) = vrcp.f32 v2  }
0x105: {  	(erf) = vpow2.f32 v0;
	_ =	sdelay $0x5  }
0x106: {  	v17 =	vld [tilespmem:$0x7B0];
	_ =	sdelay $0x1  }
0x107: {  	v2 =	vpop (erf)  }
0x108: {  	v18 =	vpop (erf)  }
0x109: {  	v3 =	vadd.f32 $1.000000000e+00, v18  }
0x10a: {  	v0 =	vmul.f32 $1.442695020e+00, v17  }
0x10b: {  	(erf) = vrcp.f32 v3  }
0x10c: {  	(erf) = vpow2.f32 v0;
	_ =	sdelay $0x5  }
0x10d: {  	v19 =	vld [tilespmem:$0x7C0];
	_ =	sdelay $0x1  }
0x10e: {  	v3 =	vpop (erf)  }
0x10f: {  	v20 =	vpop (erf)  }
0x110: {  	v4 =	vadd.f32 $1.000000000e+00, v20  }
0x111: {  	v0 =	vmul.f32 $1.442695020e+00, v19  }
0x112: {  	(erf) = vrcp.f32 v4  }
0x113: {  	(erf) = vpow2.f32 v0;
	_ =	sdelay $0x5  }
0x114: {  	v21 =	vld [tilespmem:$0x7D0];
	_ =	sdelay $0x1  }
0x115: {  	v4 =	vpop (erf)  }
0x116: {  	v22 =	vpop (erf)  }
0x117: {  	v5 =	vadd.f32 $1.000000000e+00, v22  }
0x118: {  	v0 =	vmul.f32 $1.442695020e+00, v21  }
0x119: {  	(erf) = vrcp.f32 v5  }
0x11a: {  	(erf) = vpow2.f32 v0;
	_ =	sdelay $0x5  }
0x11b: {  	v23 =	vld [tilespmem:$0x7E0];
	_ =	sdelay $0x1  }
0x11c: {  	v5 =	vpop (erf)  }
0x11d: {  	v24 =	vpop (erf)  }
0x11e: {  	v6 =	vadd.f32 $1.000000000e+00, v24  }
0x11f: {  	v0 =	vmul.f32 $1.442695020e+00, v23  }
0x120: {  	(erf) = vrcp.f32 v6  }
0x121: {  	(erf) = vpow2.f32 v0;
	_ =	sdelay $0x5  }
0x122: {  	v25 =	vld [tilespmem:$0x7F0];
	_ =	sdelay $0x1  }
0x123: {  	v6 =	vpop (erf)  }
0x124: {  	v26 =	vpop (erf)  }
0x125: {  	v7 =	vadd.f32 $1.000000000e+00, v26  }
0x126: {  	v0 =	vmul.f32 $1.442695020e+00, v25  }
0x127: {  	(erf) = vrcp.f32 v7  }
0x128: {  	(erf) = vpow2.f32 v0;
	_ =	sdelay $0x7  }
0x129: {  	v27 =	vpop (erf)  }
0x12a: {  	v28 =	vpop (erf)  }
0x12b: {  	v7 =	vadd.f32 $1.000000000e+00, v28;
	_ =	sdelay $0x1  }
0x12c: {  	(erf) = vrcp.f32 v7;
	_ =	sdelay $0x2  }
0x12d: {  	[tilespmem:$0xD80] =	vst v1  }
0x12e: {  	[tilespmem:$0xD90] =	vst v2  }
0x12f: {  	[tilespmem:$0xDA0] =	vst v3  }
0x130: {  	[tilespmem:$0xDB0] =	vst v4  }
0x131: {  	[tilespmem:$0xDC0] =	vst v5  }
0x132: {  	[tilespmem:$0xDD0] =	vst v6  }
0x133: {  	[tilespmem:$0xDE0] =	vst v27;
	v29 =	vpop (erf)  }
0x134: {  	[tilespmem:$0xDF0] =	vst v29  }
0x135: {  	_ =	swait.ge [sflag:s31], $0x80  }
0x136: {  	[sflag:s31] =	ssyncset.done $0x0  }
0x137: {  	[sflag:s31] =	ssyncadd.s32 $0xFFFFFF80  }
0x138: {  	v30 =	vld [tilespmem:$0x800];
	_ =	sdelay $0x4  }
0x139: {  	v0 =	vmul.f32 $1.442695020e+00, v30;
	_ =	sdelay $0x1  }
0x13a: {  	(erf) = vpow2.f32 v0;
	_ =	sdelay $0x5  }
0x13b: {  	v31 =	vld [tilespmem:$0x810];
	_ =	sdelay $0x2  }
0x13c: {  	v32 =	vpop (erf)  }
0x13d: {  	v1 =	vadd.f32 $1.000000000e+00, v32  }
0x13e: {  	v0 =	vmul.f32 $1.442695020e+00, v31  }
0x13f: {  	(erf) = vrcp.f32 v1  }
0x140: {  	(erf) = vpow2.f32 v0;
	_ =	sdelay $0x5  }
0x141: {  	v33 =	vld [tilespmem:$0x820];
	_ =	sdelay $0x1  }
0x142: {  	v1 =	vpop (erf)  }
0x143: {  	v34 =	vpop (erf)  }
0x144: {  	v2 =	vadd.f32 $1.000000000e+00, v34  }
0x145: {  	v0 =	vmul.f32 $1.442695020e+00, v33  }
0x146: {  	(erf) = vrcp.f32 v2  }
0x147: {  	(erf) = vpow2.f32 v0;
	_ =	sdelay $0x5  }
0x148: {  	v35 =	vld [tilespmem:$0x830];
	_ =	sdelay $0x1  }
0x149: {  	v2 =	vpop (erf)  }
0x14a: {  	v36 =	vpop (erf)  }
0x14b: {  	v3 =	vadd.f32 $1.000000000e+00, v36  }
0x14c: {  	v0 =	vmul.f32 $1.442695020e+00, v35  }
0x14d: {  	(erf) = vrcp.f32 v3  }
0x14e: {  	(erf) = vpow2.f32 v0;
	_ =	sdelay $0x5  }
0x14f: {  	v37 =	vld [tilespmem:$0x840];
	_ =	sdelay $0x1  }
0x150: {  	v3 =	vpop (erf)  }
0x151: {  	v38 =	vpop (erf)  }
0x152: {  	v4 =	vadd.f32 $1.000000000e+00, v38  }
0x153: {  	v0 =	vmul.f32 $1.442695020e+00, v37  }
0x154: {  	(erf) = vrcp.f32 v4  }
0x155: {  	(erf) = vpow2.f32 v0;
	_ =	sdelay $0x5  }
0x156: {  	v39 =	vld [tilespmem:$0x850];
	_ =	sdelay $0x1  }
0x157: {  	v4 =	vpop (erf)  }
0x158: {  	v40 =	vpop (erf)  }
0x159: {  	v5 =	vadd.f32 $1.000000000e+00, v40  }
0x15a: {  	v0 =	vmul.f32 $1.442695020e+00, v39  }
0x15b: {  	(erf) = vrcp.f32 v5  }
0x15c: {  	(erf) = vpow2.f32 v0;
	_ =	sdelay $0x5  }
0x15d: {  	v41 =	vld [tilespmem:$0x860];
	_ =	sdelay $0x1  }
0x15e: {  	v5 =	vpop (erf)  }
0x15f: {  	v42 =	vpop (erf)  }
0x160: {  	v6 =	vadd.f32 $1.000000000e+00, v42  }
0x161: {  	v0 =	vmul.f32 $1.442695020e+00, v41  }
0x162: {  	(erf) = vrcp.f32 v6  }
0x163: {  	(erf) = vpow2.f32 v0;
	_ =	sdelay $0x5  }
0x164: {  	v43 =	vld [tilespmem:$0x870];
	_ =	sdelay $0x1  }
0x165: {  	v6 =	vpop (erf)  }
0x166: {  	v44 =	vpop (erf)  }
0x167: {  	v7 =	vadd.f32 $1.000000000e+00, v44  }
0x168: {  	v0 =	vmul.f32 $1.442695020e+00, v43  }
0x169: {  	(erf) = vrcp.f32 v7  }
0x16a: {  	(erf) = vpow2.f32 v0;
	_ =	sdelay $0x7  }
0x16b: {  	v45 =	vpop (erf)  }
0x16c: {  	v46 =	vpop (erf)  }
0x16d: {  	v7 =	vadd.f32 $1.000000000e+00, v46;
	_ =	sdelay $0x1  }
0x16e: {  	(erf) = vrcp.f32 v7;
	_ =	sdelay $0x2  }
0x16f: {  	[tilespmem:$0xE00] =	vst v1  }
0x170: {  	[tilespmem:$0xE10] =	vst v2  }
0x171: {  	[tilespmem:$0xE20] =	vst v3  }
0x172: {  	[tilespmem:$0xE30] =	vst v4  }
0x173: {  	[tilespmem:$0xE40] =	vst v5  }
0x174: {  	[tilespmem:$0xE50] =	vst v6  }
0x175: {  	[tilespmem:$0xE60] =	vst v45;
	v47 =	vpop (erf)  }
0x176: {  	[tilespmem:$0xE70] =	vst v47  }
0x177: {  	_ =	swait.ge [sflag:s31], $0x80  }
0x178: {  	[sflag:s31] =	ssyncset.done $0x0  }
0x179: {  	[sflag:s31] =	ssyncadd.s32 $0xFFFFFF80  }
0x17a: {  	v48 =	vld [tilespmem:$0x880];
	_ =	sdelay $0x4  }
0x17b: {  	v0 =	vmul.f32 $1.442695020e+00, v48;
	_ =	sdelay $0x1  }
0x17c: {  	(erf) = vpow2.f32 v0;
	_ =	sdelay $0x5  }
0x17d: {  	v49 =	vld [tilespmem:$0x890];
	_ =	sdelay $0x2  }
0x17e: {  	v50 =	vpop (erf)  }
0x17f: {  	v1 =	vadd.f32 $1.000000000e+00, v50  }
0x180: {  	v0 =	vmul.f32 $1.442695020e+00, v49  }
0x181: {  	(erf) = vrcp.f32 v1  }
0x182: {  	(erf) = vpow2.f32 v0;
	_ =	sdelay $0x5  }
0x183: {  	v51 =	vld [tilespmem:$0x8A0];
	_ =	sdelay $0x1  }
0x184: {  	v1 =	vpop (erf)  }
0x185: {  	v52 =	vpop (erf)  }
0x186: {  	v2 =	vadd.f32 $1.000000000e+00, v52  }
0x187: {  	v0 =	vmul.f32 $1.442695020e+00, v51  }
0x188: {  	(erf) = vrcp.f32 v2  }
0x189: {  	(erf) = vpow2.f32 v0;
	_ =	sdelay $0x5  }
0x18a: {  	v53 =	vld [tilespmem:$0x8B0];
	_ =	sdelay $0x1  }
0x18b: {  	v2 =	vpop (erf)  }
0x18c: {  	v54 =	vpop (erf)  }
0x18d: {  	v3 =	vadd.f32 $1.000000000e+00, v54  }
0x18e: {  	v0 =	vmul.f32 $1.442695020e+00, v53  }
0x18f: {  	(erf) = vrcp.f32 v3  }
0x190: {  	(erf) = vpow2.f32 v0;
	_ =	sdelay $0x5  }
0x191: {  	v55 =	vld [tilespmem:$0x8C0];
	_ =	sdelay $0x1  }
0x192: {  	v3 =	vpop (erf)  }
0x193: {  	v56 =	vpop (erf)  }
0x194: {  	v4 =	vadd.f32 $1.000000000e+00, v56  }
0x195: {  	v0 =	vmul.f32 $1.442695020e+00, v55  }
0x196: {  	(erf) = vrcp.f32 v4  }
0x197: {  	(erf) = vpow2.f32 v0;
	_ =	sdelay $0x5  }
0x198: {  	v57 =	vld [tilespmem:$0x8D0];
	_ =	sdelay $0x1  }
0x199: {  	v4 =	vpop (erf)  }
0x19a: {  	v58 =	vpop (erf)  }
0x19b: {  	v5 =	vadd.f32 $1.000000000e+00, v58  }
0x19c: {  	v0 =	vmul.f32 $1.442695020e+00, v57  }
0x19d: {  	(erf) = vrcp.f32 v5  }
0x19e: {  	(erf) = vpow2.f32 v0;
	_ =	sdelay $0x5  }
0x19f: {  	v59 =	vld [tilespmem:$0x8E0];
	_ =	sdelay $0x1  }
0x1a0: {  	v5 =	vpop (erf)  }
0x1a1: {  	v60 =	vpop (erf)  }
0x1a2: {  	v6 =	vadd.f32 $1.000000000e+00, v60  }
0x1a3: {  	v0 =	vmul.f32 $1.442695020e+00, v59  }
0x1a4: {  	(erf) = vrcp.f32 v6  }
0x1a5: {  	(erf) = vpow2.f32 v0;
	_ =	sdelay $0x5  }
0x1a6: {  	v61 =	vld [tilespmem:$0x8F0];
	_ =	sdelay $0x1  }
0x1a7: {  	v6 =	vpop (erf)  }
0x1a8: {  	v62 =	vpop (erf)  }
0x1a9: {  	v7 =	vadd.f32 $1.000000000e+00, v62  }
0x1aa: {  	v0 =	vmul.f32 $1.442695020e+00, v61  }
0x1ab: {  	(erf) = vrcp.f32 v7  }
0x1ac: {  	(erf) = vpow2.f32 v0;
	_ =	sdelay $0x7  }
0x1ad: {  	v63 =	vpop (erf)  }
0x1ae: {  	v9 =	vpop (erf)  }
0x1af: {  	v7 =	vadd.f32 $1.000000000e+00, v9;
	_ =	sdelay $0x1  }
0x1b0: {  	(erf) = vrcp.f32 v7;
	_ =	sdelay $0x2  }
0x1b1: {  	[tilespmem:$0xE80] =	vst v1  }
0x1b2: {  	[tilespmem:$0xE90] =	vst v2  }
0x1b3: {  	[tilespmem:$0xEA0] =	vst v3  }
0x1b4: {  	[tilespmem:$0xEB0] =	vst v4  }
0x1b5: {  	[tilespmem:$0xEC0] =	vst v5  }
0x1b6: {  	[tilespmem:$0xED0] =	vst v6  }
0x1b7: {  	[tilespmem:$0xEE0] =	vst v63;
	v10 =	vpop (erf)  }
0x1b8: {  	[tilespmem:$0xEF0] =	vst v10  }
0x1b9: {  	_ =	swait.ge [sflag:s31], $0x80  }
0x1ba: {  	[sflag:s31] =	ssyncset.done $0x0  }
0x1bb: {  	[sflag:s31] =	ssyncadd.s32 $0xFFFFFF80  }
0x1bc: {  	v11 =	vld [tilespmem:$0x900];
	_ =	sdelay $0x4  }
0x1bd: {  	v0 =	vmul.f32 $1.442695020e+00, v11;
	_ =	sdelay $0x1  }
0x1be: {  	(erf) = vpow2.f32 v0;
	_ =	sdelay $0x5  }
0x1bf: {  	v12 =	vld [tilespmem:$0x910];
	_ =	sdelay $0x2  }
0x1c0: {  	v13 =	vpop (erf)  }
0x1c1: {  	v1 =	vadd.f32 $1.000000000e+00, v13  }
0x1c2: {  	v0 =	vmul.f32 $1.442695020e+00, v12  }
0x1c3: {  	(erf) = vrcp.f32 v1  }
0x1c4: {  	(erf) = vpow2.f32 v0;
	_ =	sdelay $0x5  }
0x1c5: {  	v14 =	vld [tilespmem:$0x920];
	_ =	sdelay $0x1  }
0x1c6: {  	v1 =	vpop (erf)  }
0x1c7: {  	v15 =	vpop (erf)  }
0x1c8: {  	v2 =	vadd.f32 $1.000000000e+00, v15  }
0x1c9: {  	v0 =	vmul.f32 $1.442695020e+00, v14  }
0x1ca: {  	(erf) = vrcp.f32 v2  }
0x1cb: {  	(erf) = vpow2.f32 v0;
	_ =	sdelay $0x5  }
0x1cc: {  	v16 =	vld [tilespmem:$0x930];
	_ =	sdelay $0x1  }
0x1cd: {  	v2 =	vpop (erf)  }
0x1ce: {  	v17 =	vpop (erf)  }
0x1cf: {  	v3 =	vadd.f32 $1.000000000e+00, v17  }
0x1d0: {  	v0 =	vmul.f32 $1.442695020e+00, v16  }
0x1d1: {  	(erf) = vrcp.f32 v3  }
0x1d2: {  	(erf) = vpow2.f32 v0;
	_ =	sdelay $0x5  }
0x1d3: {  	v18 =	vld [tilespmem:$0x940];
	_ =	sdelay $0x1  }
0x1d4: {  	v3 =	vpop (erf)  }
0x1d5: {  	v19 =	vpop (erf)  }
0x1d6: {  	v4 =	vadd.f32 $1.000000000e+00, v19  }
0x1d7: {  	v0 =	vmul.f32 $1.442695020e+00, v18  }
0x1d8: {  	(erf) = vrcp.f32 v4  }
0x1d9: {  	(erf) = vpow2.f32 v0;
	_ =	sdelay $0x5  }
0x1da: {  	v20 =	vld [tilespmem:$0x950];
	_ =	sdelay $0x1  }
0x1db: {  	v4 =	vpop (erf)  }
0x1dc: {  	v21 =	vpop (erf)  }
0x1dd: {  	v5 =	vadd.f32 $1.000000000e+00, v21  }
0x1de: {  	v0 =	vmul.f32 $1.442695020e+00, v20  }
0x1df: {  	(erf) = vrcp.f32 v5  }
0x1e0: {  	(erf) = vpow2.f32 v0;
	_ =	sdelay $0x5  }
0x1e1: {  	v22 =	vld [tilespmem:$0x960];
	_ =	sdelay $0x1  }
0x1e2: {  	v5 =	vpop (erf)  }
0x1e3: {  	v23 =	vpop (erf)  }
0x1e4: {  	v6 =	vadd.f32 $1.000000000e+00, v23  }
0x1e5: {  	v0 =	vmul.f32 $1.442695020e+00, v22  }
0x1e6: {  	(erf) = vrcp.f32 v6  }
0x1e7: {  	(erf) = vpow2.f32 v0;
	_ =	sdelay $0x5  }
0x1e8: {  	v24 =	vld [tilespmem:$0x970];
	_ =	sdelay $0x1  }
0x1e9: {  	v6 =	vpop (erf)  }
0x1ea: {  	v25 =	vpop (erf)  }
0x1eb: {  	v7 =	vadd.f32 $1.000000000e+00, v25  }
0x1ec: {  	v0 =	vmul.f32 $1.442695020e+00, v24  }
0x1ed: {  	(erf) = vrcp.f32 v7  }
0x1ee: {  	(erf) = vpow2.f32 v0;
	_ =	sdelay $0x7  }
0x1ef: {  	v26 =	vpop (erf)  }
0x1f0: {  	v27 =	vpop (erf)  }
0x1f1: {  	v7 =	vadd.f32 $1.000000000e+00, v27;
	_ =	sdelay $0x1  }
0x1f2: {  	(erf) = vrcp.f32 v7;
	_ =	sdelay $0x2  }
0x1f3: {  	[tilespmem:$0xF00] =	vst v1  }
0x1f4: {  	[tilespmem:$0xF10] =	vst v2  }
0x1f5: {  	[tilespmem:$0xF20] =	vst v3  }
0x1f6: {  	[tilespmem:$0xF30] =	vst v4  }
0x1f7: {  	[tilespmem:$0xF40] =	vst v5  }
0x1f8: {  	[tilespmem:$0xF50] =	vst v6  }
0x1f9: {  	[tilespmem:$0xF60] =	vst v26;
	v28 =	vpop (erf)  }
0x1fa: {  	[tilespmem:$0xF70] =	vst v28  }
0x1fb: {  	_ =	swait.ge [sflag:s31], $0x80  }
0x1fc: {  	[sflag:s31] =	ssyncset.done $0x0  }
0x1fd: {  	[sflag:s31] =	ssyncadd.s32 $0xFFFFFF80  }
0x1fe: {  	v29 =	vld [tilespmem:$0x980];
	_ =	sdelay $0x4  }
0x1ff: {  	v0 =	vmul.f32 $1.442695020e+00, v29;
	_ =	sdelay $0x1  }
0x200: {  	(erf) = vpow2.f32 v0;
	_ =	sdelay $0x5  }
0x201: {  	v30 =	vld [tilespmem:$0x990];
	_ =	sdelay $0x2  }
0x202: {  	v31 =	vpop (erf)  }
0x203: {  	v1 =	vadd.f32 $1.000000000e+00, v31  }
0x204: {  	v0 =	vmul.f32 $1.442695020e+00, v30  }
0x205: {  	(erf) = vrcp.f32 v1  }
0x206: {  	(erf) = vpow2.f32 v0;
	_ =	sdelay $0x5  }
0x207: {  	v32 =	vld [tilespmem:$0x9A0];
	_ =	sdelay $0x1  }
0x208: {  	v1 =	vpop (erf)  }
0x209: {  	v33 =	vpop (erf)  }
0x20a: {  	v2 =	vadd.f32 $1.000000000e+00, v33  }
0x20b: {  	v0 =	vmul.f32 $1.442695020e+00, v32  }
0x20c: {  	(erf) = vrcp.f32 v2  }
0x20d: {  	(erf) = vpow2.f32 v0;
	_ =	sdelay $0x5  }
0x20e: {  	v34 =	vld [tilespmem:$0x9B0];
	_ =	sdelay $0x1  }
0x20f: {  	v2 =	vpop (erf)  }
0x210: {  	v35 =	vpop (erf)  }
0x211: {  	v3 =	vadd.f32 $1.000000000e+00, v35  }
0x212: {  	v0 =	vmul.f32 $1.442695020e+00, v34  }
0x213: {  	(erf) = vrcp.f32 v3  }
0x214: {  	(erf) = vpow2.f32 v0;
	_ =	sdelay $0x5  }
0x215: {  	v36 =	vld [tilespmem:$0x9C0];
	_ =	sdelay $0x1  }
0x216: {  	v3 =	vpop (erf)  }
0x217: {  	v37 =	vpop (erf)  }
0x218: {  	v4 =	vadd.f32 $1.000000000e+00, v37  }
0x219: {  	v0 =	vmul.f32 $1.442695020e+00, v36  }
0x21a: {  	(erf) = vrcp.f32 v4  }
0x21b: {  	(erf) = vpow2.f32 v0;
	_ =	sdelay $0x5  }
0x21c: {  	v38 =	vld [tilespmem:$0x9D0];
	_ =	sdelay $0x1  }
0x21d: {  	v4 =	vpop (erf)  }
0x21e: {  	v39 =	vpop (erf)  }
0x21f: {  	v5 =	vadd.f32 $1.000000000e+00, v39  }
0x220: {  	v0 =	vmul.f32 $1.442695020e+00, v38  }
0x221: {  	(erf) = vrcp.f32 v5  }
0x222: {  	(erf) = vpow2.f32 v0;
	_ =	sdelay $0x5  }
0x223: {  	v40 =	vld [tilespmem:$0x9E0];
	_ =	sdelay $0x1  }
0x224: {  	v5 =	vpop (erf)  }
0x225: {  	v41 =	vpop (erf)  }
0x226: {  	v6 =	vadd.f32 $1.000000000e+00, v41  }
0x227: {  	v0 =	vmul.f32 $1.442695020e+00, v40  }
0x228: {  	(erf) = vrcp.f32 v6  }
0x229: {  	(erf) = vpow2.f32 v0;
	_ =	sdelay $0x5  }
0x22a: {  	v42 =	vld [tilespmem:$0x9F0];
	_ =	sdelay $0x1  }
0x22b: {  	v6 =	vpop (erf)  }
0x22c: {  	v43 =	vpop (erf)  }
0x22d: {  	v7 =	vadd.f32 $1.000000000e+00, v43  }
0x22e: {  	v0 =	vmul.f32 $1.442695020e+00, v42  }
0x22f: {  	(erf) = vrcp.f32 v7  }
0x230: {  	(erf) = vpow2.f32 v0;
	_ =	sdelay $0x7  }
0x231: {  	v44 =	vpop (erf)  }
0x232: {  	v45 =	vpop (erf)  }
0x233: {  	v7 =	vadd.f32 $1.000000000e+00, v45;
	_ =	sdelay $0x1  }
0x234: {  	(erf) = vrcp.f32 v7;
	_ =	sdelay $0x2  }
0x235: {  	[tilespmem:$0xF80] =	vst v1  }
0x236: {  	[tilespmem:$0xF90] =	vst v2  }
0x237: {  	[tilespmem:$0xFA0] =	vst v3  }
0x238: {  	[tilespmem:$0xFB0] =	vst v4  }
0x239: {  	[tilespmem:$0xFC0] =	vst v5  }
0x23a: {  	[tilespmem:$0xFD0] =	vst v6  }
0x23b: {  	[tilespmem:$0xFE0] =	vst v44;
	v46 =	vpop (erf)  }
0x23c: {  	[tilespmem:$0xFF0] =	vst v46  }
0x23d: {  	_ =	swait.ge [sflag:s31], $0x80  }
0x23e: {  	[sflag:s31] =	ssyncset.done $0x0  }
0x23f: {  	[sflag:s31] =	ssyncadd.s32 $0xFFFFFF80  }
0x240: {  	v47 =	vld [tilespmem:$0xA00];
	_ =	sdelay $0x4  }
0x241: {  	v0 =	vmul.f32 $1.442695020e+00, v47;
	_ =	sdelay $0x1  }
0x242: {  	(erf) = vpow2.f32 v0;
	_ =	sdelay $0x5  }
0x243: {  	v48 =	vld [tilespmem:$0xA10];
	_ =	sdelay $0x2  }
0x244: {  	v49 =	vpop (erf)  }
0x245: {  	v1 =	vadd.f32 $1.000000000e+00, v49  }
0x246: {  	v0 =	vmul.f32 $1.442695020e+00, v48  }
0x247: {  	(erf) = vrcp.f32 v1  }
0x248: {  	(erf) = vpow2.f32 v0;
	_ =	sdelay $0x5  }
0x249: {  	v50 =	vld [tilespmem:$0xA20];
	_ =	sdelay $0x1  }
0x24a: {  	v1 =	vpop (erf)  }
0x24b: {  	v51 =	vpop (erf)  }
0x24c: {  	v2 =	vadd.f32 $1.000000000e+00, v51  }
0x24d: {  	v0 =	vmul.f32 $1.442695020e+00, v50  }
0x24e: {  	(erf) = vrcp.f32 v2  }
0x24f: {  	(erf) = vpow2.f32 v0;
	_ =	sdelay $0x5  }
0x250: {  	v52 =	vld [tilespmem:$0xA30];
	_ =	sdelay $0x1  }
0x251: {  	v2 =	vpop (erf)  }
0x252: {  	v53 =	vpop (erf)  }
0x253: {  	v3 =	vadd.f32 $1.000000000e+00, v53  }
0x254: {  	v0 =	vmul.f32 $1.442695020e+00, v52  }
0x255: {  	(erf) = vrcp.f32 v3  }
0x256: {  	(erf) = vpow2.f32 v0;
	_ =	sdelay $0x5  }
0x257: {  	v54 =	vld [tilespmem:$0xA40];
	_ =	sdelay $0x1  }
0x258: {  	v3 =	vpop (erf)  }
0x259: {  	v55 =	vpop (erf)  }
0x25a: {  	v4 =	vadd.f32 $1.000000000e+00, v55  }
0x25b: {  	v0 =	vmul.f32 $1.442695020e+00, v54  }
0x25c: {  	(erf) = vrcp.f32 v4  }
0x25d: {  	(erf) = vpow2.f32 v0;
	_ =	sdelay $0x5  }
0x25e: {  	v56 =	vld [tilespmem:$0xA50];
	_ =	sdelay $0x1  }
0x25f: {  	v4 =	vpop (erf)  }
0x260: {  	v57 =	vpop (erf)  }
0x261: {  	v5 =	vadd.f32 $1.000000000e+00, v57  }
0x262: {  	v0 =	vmul.f32 $1.442695020e+00, v56  }
0x263: {  	(erf) = vrcp.f32 v5  }
0x264: {  	(erf) = vpow2.f32 v0;
	_ =	sdelay $0x5  }
0x265: {  	v58 =	vld [tilespmem:$0xA60];
	_ =	sdelay $0x1  }
0x266: {  	v5 =	vpop (erf)  }
0x267: {  	v59 =	vpop (erf)  }
0x268: {  	v6 =	vadd.f32 $1.000000000e+00, v59  }
0x269: {  	v0 =	vmul.f32 $1.442695020e+00, v58  }
0x26a: {  	(erf) = vrcp.f32 v6  }
0x26b: {  	(erf) = vpow2.f32 v0;
	_ =	sdelay $0x5  }
0x26c: {  	v60 =	vld [tilespmem:$0xA70];
	_ =	sdelay $0x1  }
0x26d: {  	v6 =	vpop (erf)  }
0x26e: {  	v61 =	vpop (erf)  }
0x26f: {  	v7 =	vadd.f32 $1.000000000e+00, v61  }
0x270: {  	v0 =	vmul.f32 $1.442695020e+00, v60  }
0x271: {  	(erf) = vrcp.f32 v7  }
0x272: {  	(erf) = vpow2.f32 v0;
	_ =	sdelay $0x7  }
0x273: {  	v62 =	vpop (erf)  }
0x274: {  	v63 =	vpop (erf)  }
0x275: {  	v7 =	vadd.f32 $1.000000000e+00, v63;
	_ =	sdelay $0x1  }
0x276: {  	(erf) = vrcp.f32 v7;
	_ =	sdelay $0x2  }
0x277: {  	[tilespmem:$0x1000] =	vst v1  }
0x278: {  	[tilespmem:$0x1010] =	vst v2  }
0x279: {  	[tilespmem:$0x1020] =	vst v3  }
0x27a: {  	[tilespmem:$0x1030] =	vst v4  }
0x27b: {  	[tilespmem:$0x1040] =	vst v5  }
0x27c: {  	[tilespmem:$0x1050] =	vst v6  }
0x27d: {  	[tilespmem:$0x1060] =	vst v62;
	v9 =	vpop (erf)  }
0x27e: {  	[tilespmem:$0x1070] =	vst v9  }
0x27f: {  	_ =	swait.ge [sflag:s31], $0x80  }
0x280: {  	[sflag:s31] =	ssyncset.done $0x0  }
0x281: {  	[sflag:s31] =	ssyncadd.s32 $0xFFFFFF80  }
0x282: {  	v10 =	vld [tilespmem:$0xA80];
	_ =	sdelay $0x4  }
0x283: {  	v0 =	vmul.f32 $1.442695020e+00, v10;
	_ =	sdelay $0x1  }
0x284: {  	(erf) = vpow2.f32 v0;
	_ =	sdelay $0x5  }
0x285: {  	v11 =	vld [tilespmem:$0xA90];
	_ =	sdelay $0x2  }
0x286: {  	v12 =	vpop (erf)  }
0x287: {  	v1 =	vadd.f32 $1.000000000e+00, v12  }
0x288: {  	v0 =	vmul.f32 $1.442695020e+00, v11  }
0x289: {  	(erf) = vrcp.f32 v1  }
0x28a: {  	(erf) = vpow2.f32 v0;
	_ =	sdelay $0x5  }
0x28b: {  	v13 =	vld [tilespmem:$0xAA0];
	_ =	sdelay $0x1  }
0x28c: {  	v1 =	vpop (erf)  }
0x28d: {  	v14 =	vpop (erf)  }
0x28e: {  	v2 =	vadd.f32 $1.000000000e+00, v14  }
0x28f: {  	v0 =	vmul.f32 $1.442695020e+00, v13  }
0x290: {  	(erf) = vrcp.f32 v2  }
0x291: {  	(erf) = vpow2.f32 v0;
	_ =	sdelay $0x5  }
0x292: {  	v15 =	vld [tilespmem:$0xAB0];
	_ =	sdelay $0x1  }
0x293: {  	v2 =	vpop (erf)  }
0x294: {  	v16 =	vpop (erf)  }
0x295: {  	v3 =	vadd.f32 $1.000000000e+00, v16  }
0x296: {  	v0 =	vmul.f32 $1.442695020e+00, v15  }
0x297: {  	(erf) = vrcp.f32 v3  }
0x298: {  	(erf) = vpow2.f32 v0;
	_ =	sdelay $0x5  }
0x299: {  	v17 =	vld [tilespmem:$0xAC0];
	_ =	sdelay $0x1  }
0x29a: {  	v3 =	vpop (erf)  }
0x29b: {  	v18 =	vpop (erf)  }
0x29c: {  	v4 =	vadd.f32 $1.000000000e+00, v18  }
0x29d: {  	v0 =	vmul.f32 $1.442695020e+00, v17  }
0x29e: {  	(erf) = vrcp.f32 v4  }
0x29f: {  	(erf) = vpow2.f32 v0;
	_ =	sdelay $0x5  }
0x2a0: {  	v19 =	vld [tilespmem:$0xAD0];
	_ =	sdelay $0x1  }
0x2a1: {  	v4 =	vpop (erf)  }
0x2a2: {  	v20 =	vpop (erf)  }
0x2a3: {  	v5 =	vadd.f32 $1.000000000e+00, v20  }
0x2a4: {  	v0 =	vmul.f32 $1.442695020e+00, v19  }
0x2a5: {  	(erf) = vrcp.f32 v5  }
0x2a6: {  	(erf) = vpow2.f32 v0;
	_ =	sdelay $0x5  }
0x2a7: {  	v21 =	vld [tilespmem:$0xAE0];
	_ =	sdelay $0x1  }
0x2a8: {  	v5 =	vpop (erf)  }
0x2a9: {  	v22 =	vpop (erf)  }
0x2aa: {  	v6 =	vadd.f32 $1.000000000e+00, v22  }
0x2ab: {  	v0 =	vmul.f32 $1.442695020e+00, v21  }
0x2ac: {  	(erf) = vrcp.f32 v6  }
0x2ad: {  	(erf) = vpow2.f32 v0;
	_ =	sdelay $0x5  }
0x2ae: {  	v23 =	vld [tilespmem:$0xAF0];
	_ =	sdelay $0x1  }
0x2af: {  	v6 =	vpop (erf)  }
0x2b0: {  	v24 =	vpop (erf)  }
0x2b1: {  	v7 =	vadd.f32 $1.000000000e+00, v24  }
0x2b2: {  	v0 =	vmul.f32 $1.442695020e+00, v23  }
0x2b3: {  	(erf) = vrcp.f32 v7  }
0x2b4: {  	(erf) = vpow2.f32 v0;
	_ =	sdelay $0x7  }
0x2b5: {  	v25 =	vpop (erf)  }
0x2b6: {  	v26 =	vpop (erf)  }
0x2b7: {  	v7 =	vadd.f32 $1.000000000e+00, v26;
	_ =	sdelay $0x1  }
0x2b8: {  	(erf) = vrcp.f32 v7;
	_ =	sdelay $0x2  }
0x2b9: {  	[tilespmem:$0x1080] =	vst v1  }
0x2ba: {  	[tilespmem:$0x1090] =	vst v2  }
0x2bb: {  	[tilespmem:$0x10A0] =	vst v3  }
0x2bc: {  	[tilespmem:$0x10B0] =	vst v4  }
0x2bd: {  	[tilespmem:$0x10C0] =	vst v5  }
0x2be: {  	[tilespmem:$0x10D0] =	vst v6  }
0x2bf: {  	[tilespmem:$0x10E0] =	vst v25;
	v27 =	vpop (erf)  }
0x2c0: {  	[tilespmem:$0x10F0] =	vst v27  }
0x2c1: {  	_ =	swait.ge [sflag:s31], $0x80  }
0x2c2: {  	[sflag:s31] =	ssyncset.done $0x0  }
0x2c3: {  	[sflag:s31] =	ssyncadd.s32 $0xFFFFFF80  }
0x2c4: {  	v28 =	vld [tilespmem:$0xB00];
	_ =	sdelay $0x4  }
0x2c5: {  	v0 =	vmul.f32 $1.442695020e+00, v28;
	_ =	sdelay $0x1  }
0x2c6: {  	(erf) = vpow2.f32 v0;
	_ =	sdelay $0x5  }
0x2c7: {  	v29 =	vld [tilespmem:$0xB10];
	_ =	sdelay $0x2  }
0x2c8: {  	v30 =	vpop (erf)  }
0x2c9: {  	v1 =	vadd.f32 $1.000000000e+00, v30  }
0x2ca: {  	v0 =	vmul.f32 $1.442695020e+00, v29  }
0x2cb: {  	(erf) = vrcp.f32 v1  }
0x2cc: {  	(erf) = vpow2.f32 v0;
	_ =	sdelay $0x5  }
0x2cd: {  	v31 =	vld [tilespmem:$0xB20];
	_ =	sdelay $0x1  }
0x2ce: {  	v1 =	vpop (erf)  }
0x2cf: {  	v32 =	vpop (erf)  }
0x2d0: {  	v2 =	vadd.f32 $1.000000000e+00, v32  }
0x2d1: {  	v0 =	vmul.f32 $1.442695020e+00, v31  }
0x2d2: {  	(erf) = vrcp.f32 v2  }
0x2d3: {  	(erf) = vpow2.f32 v0;
	_ =	sdelay $0x5  }
0x2d4: {  	v33 =	vld [tilespmem:$0xB30];
	_ =	sdelay $0x1  }
0x2d5: {  	v2 =	vpop (erf)  }
0x2d6: {  	v34 =	vpop (erf)  }
0x2d7: {  	v3 =	vadd.f32 $1.000000000e+00, v34  }
0x2d8: {  	v0 =	vmul.f32 $1.442695020e+00, v33  }
0x2d9: {  	(erf) = vrcp.f32 v3  }
0x2da: {  	(erf) = vpow2.f32 v0;
	_ =	sdelay $0x5  }
0x2db: {  	v35 =	vld [tilespmem:$0xB40];
	_ =	sdelay $0x1  }
0x2dc: {  	v3 =	vpop (erf)  }
0x2dd: {  	v36 =	vpop (erf)  }
0x2de: {  	v4 =	vadd.f32 $1.000000000e+00, v36  }
0x2df: {  	v0 =	vmul.f32 $1.442695020e+00, v35  }
0x2e0: {  	(erf) = vrcp.f32 v4  }
0x2e1: {  	(erf) = vpow2.f32 v0;
	_ =	sdelay $0x5  }
0x2e2: {  	v37 =	vld [tilespmem:$0xB50];
	_ =	sdelay $0x1  }
0x2e3: {  	v4 =	vpop (erf)  }
0x2e4: {  	v38 =	vpop (erf)  }
0x2e5: {  	v5 =	vadd.f32 $1.000000000e+00, v38  }
0x2e6: {  	v0 =	vmul.f32 $1.442695020e+00, v37  }
0x2e7: {  	(erf) = vrcp.f32 v5  }
0x2e8: {  	(erf) = vpow2.f32 v0;
	_ =	sdelay $0x5  }
0x2e9: {  	v39 =	vld [tilespmem:$0xB60];
	_ =	sdelay $0x1  }
0x2ea: {  	v5 =	vpop (erf)  }
0x2eb: {  	v40 =	vpop (erf)  }
0x2ec: {  	v6 =	vadd.f32 $1.000000000e+00, v40  }
0x2ed: {  	v0 =	vmul.f32 $1.442695020e+00, v39  }
0x2ee: {  	(erf) = vrcp.f32 v6  }
0x2ef: {  	(erf) = vpow2.f32 v0;
	_ =	sdelay $0x5  }
0x2f0: {  	v41 =	vld [tilespmem:$0xB70];
	_ =	sdelay $0x1  }
0x2f1: {  	v6 =	vpop (erf)  }
0x2f2: {  	v42 =	vpop (erf)  }
0x2f3: {  	v7 =	vadd.f32 $1.000000000e+00, v42  }
0x2f4: {  	v0 =	vmul.f32 $1.442695020e+00, v41  }
0x2f5: {  	(erf) = vrcp.f32 v7  }
0x2f6: {  	(erf) = vpow2.f32 v0;
	_ =	sdelay $0x7  }
0x2f7: {  	v43 =	vpop (erf)  }
0x2f8: {  	v44 =	vpop (erf)  }
0x2f9: {  	v7 =	vadd.f32 $1.000000000e+00, v44;
	_ =	sdelay $0x1  }
0x2fa: {  	(erf) = vrcp.f32 v7;
	_ =	sdelay $0x2  }
0x2fb: {  	[tilespmem:$0x1100] =	vst v1  }
0x2fc: {  	[tilespmem:$0x1110] =	vst v2  }
0x2fd: {  	[tilespmem:$0x1120] =	vst v3  }
0x2fe: {  	[tilespmem:$0x1130] =	vst v4  }
0x2ff: {  	[tilespmem:$0x1140] =	vst v5  }
0x300: {  	[tilespmem:$0x1150] =	vst v6  }
0x301: {  	[tilespmem:$0x1160] =	vst v43;
	v45 =	vpop (erf)  }
0x302: {  	[tilespmem:$0x1170] =	vst v45  }
0x303: {  	_ =	swait.ge [sflag:s31], $0x80  }
0x304: {  	[sflag:s31] =	ssyncset.done $0x0  }
0x305: {  	[sflag:s31] =	ssyncadd.s32 $0xFFFFFF80  }
0x306: {  	v46 =	vld [tilespmem:$0xB80];
	_ =	sdelay $0x4  }
0x307: {  	v0 =	vmul.f32 $1.442695020e+00, v46;
	_ =	sdelay $0x1  }
0x308: {  	(erf) = vpow2.f32 v0;
	_ =	sdelay $0x5  }
0x309: {  	v47 =	vld [tilespmem:$0xB90];
	_ =	sdelay $0x2  }
0x30a: {  	v48 =	vpop (erf)  }
0x30b: {  	v1 =	vadd.f32 $1.000000000e+00, v48  }
0x30c: {  	v0 =	vmul.f32 $1.442695020e+00, v47  }
0x30d: {  	(erf) = vrcp.f32 v1  }
0x30e: {  	(erf) = vpow2.f32 v0;
	_ =	sdelay $0x5  }
0x30f: {  	v49 =	vld [tilespmem:$0xBA0];
	_ =	sdelay $0x1  }
0x310: {  	v1 =	vpop (erf)  }
0x311: {  	v50 =	vpop (erf)  }
0x312: {  	v2 =	vadd.f32 $1.000000000e+00, v50  }
0x313: {  	v0 =	vmul.f32 $1.442695020e+00, v49  }
0x314: {  	(erf) = vrcp.f32 v2  }
0x315: {  	(erf) = vpow2.f32 v0;
	_ =	sdelay $0x5  }
0x316: {  	v51 =	vld [tilespmem:$0xBB0];
	_ =	sdelay $0x1  }
0x317: {  	v2 =	vpop (erf)  }
0x318: {  	v52 =	vpop (erf)  }
0x319: {  	v3 =	vadd.f32 $1.000000000e+00, v52  }
0x31a: {  	v0 =	vmul.f32 $1.442695020e+00, v51  }
0x31b: {  	(erf) = vrcp.f32 v3  }
0x31c: {  	(erf) = vpow2.f32 v0;
	_ =	sdelay $0x5  }
0x31d: {  	v53 =	vld [tilespmem:$0xBC0];
	_ =	sdelay $0x1  }
0x31e: {  	v3 =	vpop (erf)  }
0x31f: {  	v54 =	vpop (erf)  }
0x320: {  	v4 =	vadd.f32 $1.000000000e+00, v54  }
0x321: {  	v0 =	vmul.f32 $1.442695020e+00, v53  }
0x322: {  	(erf) = vrcp.f32 v4  }
0x323: {  	(erf) = vpow2.f32 v0;
	_ =	sdelay $0x5  }
0x324: {  	v55 =	vld [tilespmem:$0xBD0];
	_ =	sdelay $0x1  }
0x325: {  	v4 =	vpop (erf)  }
0x326: {  	v56 =	vpop (erf)  }
0x327: {  	v5 =	vadd.f32 $1.000000000e+00, v56  }
0x328: {  	v0 =	vmul.f32 $1.442695020e+00, v55  }
0x329: {  	(erf) = vrcp.f32 v5  }
0x32a: {  	(erf) = vpow2.f32 v0;
	_ =	sdelay $0x5  }
0x32b: {  	v57 =	vld [tilespmem:$0xBE0];
	_ =	sdelay $0x1  }
0x32c: {  	v5 =	vpop (erf)  }
0x32d: {  	v58 =	vpop (erf)  }
0x32e: {  	v6 =	vadd.f32 $1.000000000e+00, v58  }
0x32f: {  	v0 =	vmul.f32 $1.442695020e+00, v57  }
0x330: {  	(erf) = vrcp.f32 v6  }
0x331: {  	(erf) = vpow2.f32 v0;
	_ =	sdelay $0x5  }
0x332: {  	v59 =	vld [tilespmem:$0xBF0];
	_ =	sdelay $0x1  }
0x333: {  	v6 =	vpop (erf)  }
0x334: {  	v60 =	vpop (erf)  }
0x335: {  	v7 =	vadd.f32 $1.000000000e+00, v60  }
0x336: {  	v0 =	vmul.f32 $1.442695020e+00, v59  }
0x337: {  	(erf) = vrcp.f32 v7  }
0x338: {  	(erf) = vpow2.f32 v0;
	_ =	sdelay $0x7  }
0x339: {  	v61 =	vpop (erf)  }
0x33a: {  	v62 =	vpop (erf)  }
0x33b: {  	v7 =	vadd.f32 $1.000000000e+00, v62;
	_ =	sdelay $0x1  }
0x33c: {  	(erf) = vrcp.f32 v7;
	_ =	sdelay $0x2  }
0x33d: {  	[tilespmem:$0x1180] =	vst v1  }
0x33e: {  	[tilespmem:$0x1190] =	vst v2  }
0x33f: {  	[tilespmem:$0x11A0] =	vst v3  }
0x340: {  	[tilespmem:$0x11B0] =	vst v4  }
0x341: {  	[tilespmem:$0x11C0] =	vst v5  }
0x342: {  	[tilespmem:$0x11D0] =	vst v6  }
0x343: {  	p0 =	sne.s32 s5, $0x1;
	[tilespmem:$0x11E0] =	vst v61;
	v63 =	vpop (erf)  }
.Ltmp0:
0x344: {  	[tilespmem:$0x11F0] =	vst v63;
	(pc) =	sbr.rel @p0 .LBB2_1-.Ltmp0, $4  }
0x345: {  	[hbm4b:s4+s3] =	stream.linear.scatter [tilespmem:s2], [sflag:$0x2], $0x600, $0x38;
	[tilespmem:$0x1200] =	vst v63  }
0x346: {  	_ =	swait.ge [sflag:s6], $0x600  }
0x347: {  	[sflag:s6] =	ssyncset.done $0x0  }
0x348: {  	s5 =	sadd.s32 $0xFFFFFFFF, s5;
	[sflag:s6] =	ssyncadd.s32 $0xFFFFFA00  }
0x349: {  	_ =	sfence.sel $0x180000  }
0x34a: {  	[bflag:$0x0] =	sbarrier.arrive $0xFFFF  }
0x34b: {  	_ =	strace $0x90000047  }
0x34c: {  	s0 =	stileid.u32;
	[bflag:$0x2] =	sbarrier.arrive $0xFFFF  }
0x34d: {  	p0 =	sne.s32 s0, $0x0;
	s0 =	rddreg [dreg:$0x3]  }
0x34e: {  	s0 =	sadd.s32 @!p0 $0x100000, s0  }
0x34f: {  	[sflag:s0] =	ssyncadd.tile.s32 @!p0 $0x1;
	_ =	shalt  }
.Lfunc_end2:
_tile_overlayer_lowered:
.L_overlay_start_2:
0x350: {  	(tag) =	ssettag $0x2  }
0x351: {  	s0 =	rddreg [dreg:$0x0];
	s2 =	stileid.u32  }
0x352: {  	s1 =	rddreg [dreg:$0x1];
	p0 =	sne.s32 s2, $0x0  }
0x353: {  	s3 =	rddreg [dreg:$0x2];
	[bflag:$0x3] =	sbarrier.arrive $0xFFFF;
	s2 =	simm.s32 @!p0 $0x1C02  }
0x354: {  	[timem:s3], [sflag:s2] =	dma.local @!p0 [hbm:s0], s1  }
0x355: {  	s0 =	simm.s32 @!p0 $0x2  }
0x356: {  	_ =	swait.ge @!p0 [sflag:s0], s1  }
0x357: {  	s1 =	ssub.s32 @!p0 $0x0, s1;
	[sflag:s0] =	ssyncset.done @!p0 $0x0  }
0x358: {  	[sflag:s0] =	ssyncadd.s32 @!p0 s1  }
0x359: {  	[bflag:$0x3] =	sbarrier.arrive $0xFFFF  }
0x35a: {  	_ =	shalt  }

</sc_bundles>
